<compile_context>
chip_gen: v7x
topology: tpu7x:2x2x1
jax: 0.10.2.dev20260603
libtpu: 0.0.44.dev20260713+nightly
codegen_flags: <defaults>
</compile_context>

<pallas_src>
import functools

import jax
import jax.numpy as jnp
from jax import lax
from jax.experimental import pallas as pl
from jax.experimental.pallas import tpu as pltpu, tpu_sc as plsc

B = 1024
N = 2048
LANES = 16
NCHUNK = N // LANES

NC, NS = 2, 16
NW = NC * NS
BPW = B // NW

_mesh = plsc.VectorSubcoreMesh(
    core_axis_name="c", subcore_axis_name="s", num_cores=NC, num_subcores=NS
)


@functools.partial(
    pl.kernel,
    out_type=jax.ShapeDtypeStruct((B, 8, N), jnp.int32),
    mesh=_mesh,
    compiler_params=pltpu.CompilerParams(needs_layout_passes=False),
    scratch_types=[
        pltpu.VMEM((N,), jnp.float32),
        pltpu.VMEM((N,), jnp.float32),
        pltpu.VMEM((N,), jnp.float32),
        pltpu.VMEM((N,), jnp.float32),
        pltpu.VMEM((N,), jnp.float32),
        pltpu.VMEM((N,), jnp.float32),
        pltpu.VMEM((8, N), jnp.int32),
        pltpu.VMEM((8, N), jnp.int32),
        pltpu.VMEM((LANES,), jnp.int32),
        pltpu.VMEM((LANES,), jnp.int32),
        pltpu.VMEM((LANES,), jnp.int32),
        pltpu.SemaphoreType.DMA,
        pltpu.SemaphoreType.DMA,
        pltpu.SemaphoreType.DMA,
        pltpu.SemaphoreType.DMA,
    ],
)
def _octant_kernel(pcs_hbm, out_hbm, x0_v, y0_v, z0_v, x1_v, y1_v, z1_v,
                   out0_v, out1_v, cnt_v,
                   prev0_v, prev1_v, isem0, isem1, osem0, osem1):
    wid = lax.axis_index("s") * NC + lax.axis_index("c")
    b0 = wid * BPW
    zeros16 = jnp.zeros((LANES,), jnp.int32)
    iota16 = lax.iota(jnp.int32, LANES)
    xyzs = ((x0_v, y0_v, z0_v), (x1_v, y1_v, z1_v))
    outs = (out0_v, out1_v)
    isems = (isem0, isem1)
    osems = (osem0, osem1)

    for p in range(2):
        for c in range(3):
            pltpu.make_async_copy(
                pcs_hbm.at[c, b0 + p], xyzs[p][c], isems[p]
            ).start()

    def z0body(i, _):
        for p in range(2):
            for o in range(8):
                for j in range(2):
                    outs[p][o, pl.ds((2 * i + j) * LANES, LANES)] = zeros16
        return 0

    lax.fori_loop(0, N // (2 * LANES), z0body, 0)
    prev0_v[...] = zeros16
    prev1_v[...] = zeros16
    prevs = (prev0_v, prev1_v)

    def pair_body(t, _):
        for p in range(2):
            k = 2 * t + p
            b = b0 + k

            @pl.when(t > 0)
            def _():
                pltpu.make_async_copy(
                    outs[p], out_hbm.at[b - 2], osems[p]
                ).wait()

            cnt_v[...] = zeros16

            for c in range(3):
                pltpu.make_async_copy(
                    pcs_hbm.at[c, b], xyzs[p][c], isems[p]
                ).wait()

            def chunk_body(u, _):
                for v in range(4):
                    base = (NCHUNK - 1 - (4 * u + v)) * LANES
                    xv = xyzs[p][0][pl.ds(base, LANES)]
                    yv = xyzs[p][1][pl.ds(base, LANES)]
                    zv = xyzs[p][2][pl.ds(base, LANES)]
                    octant = (
                        jnp.where(xv > 0.0, jnp.int32(4), jnp.int32(0))
                        + jnp.where(yv > 0.0, jnp.int32(2), jnp.int32(0))
                        + jnp.where(zv > 0.0, jnp.int32(1), jnp.int32(0))
                    )
                    octr = lax.rev(octant, (0,))
                    idxr = (base + LANES - 1) - iota16
                    rank, last = plsc.scan_count(octr)
                    old = plsc.load_gather(cnt_v.at[:], [octr])
                    newcnt = old + rank
                    plsc.store_scatter(outs[p].at[:, :], [octr, newcnt - 1], idxr)
                    plsc.store_scatter(cnt_v.at[:], [octr], newcnt, mask=last)
                return 0

            lax.fori_loop(0, NCHUNK // 4, chunk_body, 0)

            tvec = cnt_v[...]
            pvec = prevs[p][...]
            diff = jnp.maximum(pvec - tvec, 0)
            maxd = jnp.max(diff)
            o8 = iota16 & 7
            tl = tvec.at[o8].get(mode="promise_in_bounds")
            pv = pvec.at[o8].get(mode="promise_in_bounds")
            jl = iota16 >> 3

            def zstep(g, _):
                idx = tl + 2 * g + jl
                m = idx < pv
                plsc.store_scatter(
                    outs[p].at[:, :],
                    [o8, jnp.minimum(idx, jnp.int32(N - 1))], zeros16, mask=m)
                return 0

            lax.fori_loop(0, (maxd + 1) >> 1, zstep, 0)
            prevs[p][...] = tvec

            pltpu.make_async_copy(
                outs[p], out_hbm.at[b], osems[p]
            ).start()

            @pl.when(k < BPW - 2)
            def _():
                for c in range(3):
                    pltpu.make_async_copy(
                        pcs_hbm.at[c, b + 2], xyzs[p][c], isems[p]
                    ).start()

        return 0

    lax.fori_loop(0, BPW // 2, pair_body, 0)

    for p in range(2):
        pltpu.make_async_copy(
            outs[p], out_hbm.at[b0 + BPW - 2 + p], osems[p]
        ).wait()


def kernel(pcs):
    return _octant_kernel(jnp.transpose(pcs, (1, 0, 2)))

# --- scband reference (transcript-rebuilt; emitter-appended) ---
"""Pipeline reference for scband-octant-sample-17042430231231 (READ-ONLY COPY).

The authoritative reference and input builder live on the scoring server;
editing this copy changes nothing except your own understanding.
"""

import jax, jax.numpy as jnp
import numpy as np


def setup_inputs(seed: int = 0) -> dict:
    key = jax.random.key(seed)
    pcs = jax.random.normal(key, (1024, 3, 2048), dtype=jnp.float32)
    return {"pcs": pcs}


def reference(pcs):
    # pcs: [B, 3, N]; first point assumed to be the center (0,0,0).
    # The CUDA kernel assigns each point index i to one of 8 octants based on
    # the signs of its (x, y, z) coordinates, writing octant_idx[b, oct, i] = i
    # (all other slots remain 0). The wrapper then sorts descending along the
    # last dim so the true (nonzero) indices come first.
    B, three, N = pcs.shape
    x = pcs[:, 0, :]  # [B, N]
    y = pcs[:, 1, :]
    z = pcs[:, 2, :]
    octant = ((x > 0).astype(jnp.int64) * 4
              + (y > 0).astype(jnp.int64) * 2
              + (z > 0).astype(jnp.int64))  # [B, N] in [0, 8)
    idx = jnp.arange(N, dtype=jnp.int64)  # [N]
    onehot = (octant[:, None, :] == jnp.arange(8, dtype=jnp.int64)[None, :, None])  # [B, 8, N]
    octant_idx = jnp.where(onehot, idx[None, None, :], jnp.int64(0))  # [B, 8, N]
    # torch.sort(..., descending=True)[0]
    octant_idx = jnp.sort(octant_idx, axis=-1)[:, :, ::-1]
    return octant_idx

if __name__ == "__main__":
    import jax
    _d = setup_inputs()
    print(jax.jit(kernel)(*tuple(_d.values())))

</pallas_src>

<mosaic_0001>
#map = affine_map<(d0, d1) -> (0, 0, 0)>
module attributes {stable_mosaic.version = 14 : i64} {
  func.func @_octant_kernel(%arg0: i32, %arg1: i32, %arg2: memref<3x1024x2048xf32, #tpu.memory_space<hbm>>, %arg3: memref<1024x8x2048xi32, #tpu.memory_space<hbm>>, %arg4: memref<2048xf32, #tpu.memory_space<vmem>>, %arg5: memref<2048xf32, #tpu.memory_space<vmem>>, %arg6: memref<2048xf32, #tpu.memory_space<vmem>>, %arg7: memref<2048xf32, #tpu.memory_space<vmem>>, %arg8: memref<2048xf32, #tpu.memory_space<vmem>>, %arg9: memref<2048xf32, #tpu.memory_space<vmem>>, %arg10: memref<8x2048xi32, #tpu.memory_space<vmem>>, %arg11: memref<8x2048xi32, #tpu.memory_space<vmem>>, %arg12: memref<16xi32, #tpu.memory_space<vmem>>, %arg13: memref<16xi32, #tpu.memory_space<vmem>>, %arg14: memref<16xi32, #tpu.memory_space<vmem>>, %arg15: memref<!tpu.dma_semaphore, #tpu.memory_space<semaphore_mem>>, %arg16: memref<!tpu.dma_semaphore, #tpu.memory_space<semaphore_mem>>, %arg17: memref<!tpu.dma_semaphore, #tpu.memory_space<semaphore_mem>>, %arg18: memref<!tpu.dma_semaphore, #tpu.memory_space<semaphore_mem>>) attributes {dimension_semantics = [#tpu.dimension_semantics<core_parallel>, #tpu.dimension_semantics<subcore_parallel>], iteration_bounds = array<i64: 2, 16>, scalar_prefetch = 0 : i64, scratch_operands = 15 : i64, tpu.core_type = #tpu.core_type<sc_vector_subcore>, window_params = [{transform_indices = #map}, {transform_indices = #map}]} {
    %mul3A = arith.constant 2 : i32
    %mul3A_0 = arith.muli %arg1, %mul3A : i32
    %add3A = arith.addi %mul3A_0, %arg0 : i32
    %mul3A_1 = arith.constant 32 : i32
    %mul3A_2 = arith.muli %add3A, %mul3A_1 : i32
    %broadcast_in_dim3A = arith.constant 0 : i32
    %broadcast_in_dim3A_3 = vector.broadcast %broadcast_in_dim3A : i32 to vector<16xi32>
    %iota3A = tpu.iota {dimensions = array<i32: 0>} : vector<16xi32>
    %add3A_4 = arith.constant 0 : i32
    %add3A_5 = arith.addi %mul3A_2, %add3A_4 : i32
    %dma_start3A = arith.constant 0 : i32
    %dma_start3A_6 = arith.constant 0 : i32
    %dma_start3A_7 = tpu.memref_slice %arg2[%dma_start3A, %add3A_5, %dma_start3A_6] : memref<3x1024x2048xf32, #tpu.memory_space<hbm>> -> memref<1x1x2048xf32, #tpu.memory_space<hbm>>
    %dma_start3A_8 = tpu.memref_squeeze %dma_start3A_7 : memref<1x1x2048xf32, #tpu.memory_space<hbm>> -> memref<2048xf32, #tpu.memory_space<hbm>>
    %dma_start3A_9 = arith.constant 0 : i32
    %dma_start3A_10 = tpu.memref_slice %arg2[%dma_start3A, %add3A_5, %dma_start3A_9] : memref<3x1024x2048xf32, #tpu.memory_space<hbm>> -> memref<1x1x2048xf32, #tpu.memory_space<hbm>>
    %dma_start3A_11 = tpu.memref_squeeze %dma_start3A_10 : memref<1x1x2048xf32, #tpu.memory_space<hbm>> -> memref<2048xf32, #tpu.memory_space<hbm>>
    tpu.enqueue_dma source(%dma_start3A_11 : memref<2048xf32, #tpu.memory_space<hbm>>) target(%arg4 : memref<2048xf32, #tpu.memory_space<vmem>>) target_semaphore(%arg15 : memref<!tpu.dma_semaphore, #tpu.memory_space<semaphore_mem>>)
    %add3A_12 = arith.constant 0 : i32
    %add3A_13 = arith.addi %mul3A_2, %add3A_12 : i32
    %dma_start3A_14 = arith.constant 1 : i32
    %dma_start3A_15 = arith.constant 0 : i32
    %dma_start3A_16 = tpu.memref_slice %arg2[%dma_start3A_14, %add3A_13, %dma_start3A_15] : memref<3x1024x2048xf32, #tpu.memory_space<hbm>> -> memref<1x1x2048xf32, #tpu.memory_space<hbm>>
    %dma_start3A_17 = tpu.memref_squeeze %dma_start3A_16 : memref<1x1x2048xf32, #tpu.memory_space<hbm>> -> memref<2048xf32, #tpu.memory_space<hbm>>
    %dma_start3A_18 = arith.constant 0 : i32
    %dma_start3A_19 = tpu.memref_slice %arg2[%dma_start3A_14, %add3A_13, %dma_start3A_18] : memref<3x1024x2048xf32, #tpu.memory_space<hbm>> -> memref<1x1x2048xf32, #tpu.memory_space<hbm>>
    %dma_start3A_20 = tpu.memref_squeeze %dma_start3A_19 : memref<1x1x2048xf32, #tpu.memory_space<hbm>> -> memref<2048xf32, #tpu.memory_space<hbm>>
    tpu.enqueue_dma source(%dma_start3A_20 : memref<2048xf32, #tpu.memory_space<hbm>>) target(%arg5 : memref<2048xf32, #tpu.memory_space<vmem>>) target_semaphore(%arg15 : memref<!tpu.dma_semaphore, #tpu.memory_space<semaphore_mem>>)
    %add3A_21 = arith.constant 0 : i32
    %add3A_22 = arith.addi %mul3A_2, %add3A_21 : i32
    %dma_start3A_23 = arith.constant 2 : i32
    %dma_start3A_24 = arith.constant 0 : i32
    %dma_start3A_25 = tpu.memref_slice %arg2[%dma_start3A_23, %add3A_22, %dma_start3A_24] : memref<3x1024x2048xf32, #tpu.memory_space<hbm>> -> memref<1x1x2048xf32, #tpu.memory_space<hbm>>
    %dma_start3A_26 = tpu.memref_squeeze %dma_start3A_25 : memref<1x1x2048xf32, #tpu.memory_space<hbm>> -> memref<2048xf32, #tpu.memory_space<hbm>>
    %dma_start3A_27 = arith.constant 0 : i32
    %dma_start3A_28 = tpu.memref_slice %arg2[%dma_start3A_23, %add3A_22, %dma_start3A_27] : memref<3x1024x2048xf32, #tpu.memory_space<hbm>> -> memref<1x1x2048xf32, #tpu.memory_space<hbm>>
    %dma_start3A_29 = tpu.memref_squeeze %dma_start3A_28 : memref<1x1x2048xf32, #tpu.memory_space<hbm>> -> memref<2048xf32, #tpu.memory_space<hbm>>
    tpu.enqueue_dma source(%dma_start3A_29 : memref<2048xf32, #tpu.memory_space<hbm>>) target(%arg6 : memref<2048xf32, #tpu.memory_space<vmem>>) target_semaphore(%arg15 : memref<!tpu.dma_semaphore, #tpu.memory_space<semaphore_mem>>)
    %add3A_30 = arith.constant 1 : i32
    %add3A_31 = arith.addi %mul3A_2, %add3A_30 : i32
    %dma_start3A_32 = arith.constant 0 : i32
    %dma_start3A_33 = arith.constant 0 : i32
    %dma_start3A_34 = tpu.memref_slice %arg2[%dma_start3A_32, %add3A_31, %dma_start3A_33] : memref<3x1024x2048xf32, #tpu.memory_space<hbm>> -> memref<1x1x2048xf32, #tpu.memory_space<hbm>>
    %dma_start3A_35 = tpu.memref_squeeze %dma_start3A_34 : memref<1x1x2048xf32, #tpu.memory_space<hbm>> -> memref<2048xf32, #tpu.memory_space<hbm>>
    %dma_start3A_36 = arith.constant 0 : i32
    %dma_start3A_37 = tpu.memref_slice %arg2[%dma_start3A_32, %add3A_31, %dma_start3A_36] : memref<3x1024x2048xf32, #tpu.memory_space<hbm>> -> memref<1x1x2048xf32, #tpu.memory_space<hbm>>
    %dma_start3A_38 = tpu.memref_squeeze %dma_start3A_37 : memref<1x1x2048xf32, #tpu.memory_space<hbm>> -> memref<2048xf32, #tpu.memory_space<hbm>>
    tpu.enqueue_dma source(%dma_start3A_38 : memref<2048xf32, #tpu.memory_space<hbm>>) target(%arg7 : memref<2048xf32, #tpu.memory_space<vmem>>) target_semaphore(%arg16 : memref<!tpu.dma_semaphore, #tpu.memory_space<semaphore_mem>>)
    %add3A_39 = arith.constant 1 : i32
    %add3A_40 = arith.addi %mul3A_2, %add3A_39 : i32
    %dma_start3A_41 = arith.constant 1 : i32
    %dma_start3A_42 = arith.constant 0 : i32
    %dma_start3A_43 = tpu.memref_slice %arg2[%dma_start3A_41, %add3A_40, %dma_start3A_42] : memref<3x1024x2048xf32, #tpu.memory_space<hbm>> -> memref<1x1x2048xf32, #tpu.memory_space<hbm>>
    %dma_start3A_44 = tpu.memref_squeeze %dma_start3A_43 : memref<1x1x2048xf32, #tpu.memory_space<hbm>> -> memref<2048xf32, #tpu.memory_space<hbm>>
    %dma_start3A_45 = arith.constant 0 : i32
    %dma_start3A_46 = tpu.memref_slice %arg2[%dma_start3A_41, %add3A_40, %dma_start3A_45] : memref<3x1024x2048xf32, #tpu.memory_space<hbm>> -> memref<1x1x2048xf32, #tpu.memory_space<hbm>>
    %dma_start3A_47 = tpu.memref_squeeze %dma_start3A_46 : memref<1x1x2048xf32, #tpu.memory_space<hbm>> -> memref<2048xf32, #tpu.memory_space<hbm>>
    tpu.enqueue_dma source(%dma_start3A_47 : memref<2048xf32, #tpu.memory_space<hbm>>) target(%arg8 : memref<2048xf32, #tpu.memory_space<vmem>>) target_semaphore(%arg16 : memref<!tpu.dma_semaphore, #tpu.memory_space<semaphore_mem>>)
    %add3A_48 = arith.constant 1 : i32
    %add3A_49 = arith.addi %mul3A_2, %add3A_48 : i32
    %dma_start3A_50 = arith.constant 2 : i32
    %dma_start3A_51 = arith.constant 0 : i32
    %dma_start3A_52 = tpu.memref_slice %arg2[%dma_start3A_50, %add3A_49, %dma_start3A_51] : memref<3x1024x2048xf32, #tpu.memory_space<hbm>> -> memref<1x1x2048xf32, #tpu.memory_space<hbm>>
    %dma_start3A_53 = tpu.memref_squeeze %dma_start3A_52 : memref<1x1x2048xf32, #tpu.memory_space<hbm>> -> memref<2048xf32, #tpu.memory_space<hbm>>
    %dma_start3A_54 = arith.constant 0 : i32
    %dma_start3A_55 = tpu.memref_slice %arg2[%dma_start3A_50, %add3A_49, %dma_start3A_54] : memref<3x1024x2048xf32, #tpu.memory_space<hbm>> -> memref<1x1x2048xf32, #tpu.memory_space<hbm>>
    %dma_start3A_56 = tpu.memref_squeeze %dma_start3A_55 : memref<1x1x2048xf32, #tpu.memory_space<hbm>> -> memref<2048xf32, #tpu.memory_space<hbm>>
    tpu.enqueue_dma source(%dma_start3A_56 : memref<2048xf32, #tpu.memory_space<hbm>>) target(%arg9 : memref<2048xf32, #tpu.memory_space<vmem>>) target_semaphore(%arg16 : memref<!tpu.dma_semaphore, #tpu.memory_space<semaphore_mem>>)
    %scan3A = arith.constant 0 : i32
    %scan3A_57 = arith.constant 0 : i32
    %scan3A_58 = arith.constant 64 : i32
    %scan3A_59 = arith.addi %scan3A_57, %scan3A_58 : i32
    %scan3A_60 = arith.constant 1 : i32
    %scan3A_61 = scf.for %scan3A_99 = %scan3A_57 to %scan3A_59 step %scan3A_60 iter_args(%scan3A_100 = %scan3A) -> (i32)  : i32 {
      %mul3A_101 = arith.constant 2 : i32
      %mul3A_102 = arith.muli %mul3A_101, %scan3A_99 : i32
      %add3A_103 = arith.constant 0 : i32
      %add3A_104 = arith.addi %mul3A_102, %add3A_103 : i32
      %mul3A_105 = arith.constant 16 : i32
      %mul3A_106 = arith.muli %add3A_104, %mul3A_105 : i32
      %swap3A_107 = arith.constant 0 : i32
      %swap3A_108 = arith.index_cast %swap3A_107 : i32 to index
      %swap3A_109 = arith.index_cast %mul3A_106 : i32 to index
      %swap3A_110 = tpu.vector_load %arg10[%swap3A_108, %swap3A_109] {strides = array<i32>} : memref<8x2048xi32, #tpu.memory_space<vmem>>, vector<16xi32>,
      tpu.vector_store %arg10[%swap3A_108, %swap3A_109], %broadcast_in_dim3A_3 {strides = array<i32>} : memref<8x2048xi32, #tpu.memory_space<vmem>>, vector<16xi32>,
      %mul3A_111 = arith.constant 2 : i32
      %mul3A_112 = arith.muli %mul3A_111, %scan3A_99 : i32
      %add3A_113 = arith.constant 1 : i32
      %add3A_114 = arith.addi %mul3A_112, %add3A_113 : i32
      %mul3A_115 = arith.constant 16 : i32
      %mul3A_116 = arith.muli %add3A_114, %mul3A_115 : i32
      %swap3A_117 = arith.constant 0 : i32
      %swap3A_118 = arith.index_cast %swap3A_117 : i32 to index
      %swap3A_119 = arith.index_cast %mul3A_116 : i32 to index
      %swap3A_120 = tpu.vector_load %arg10[%swap3A_118, %swap3A_119] {strides = array<i32>} : memref<8x2048xi32, #tpu.memory_space<vmem>>, vector<16xi32>,
      tpu.vector_store %arg10[%swap3A_118, %swap3A_119], %broadcast_in_dim3A_3 {strides = array<i32>} : memref<8x2048xi32, #tpu.memory_space<vmem>>, vector<16xi32>,
      %mul3A_121 = arith.constant 2 : i32
      %mul3A_122 = arith.muli %mul3A_121, %scan3A_99 : i32
      %add3A_123 = arith.constant 0 : i32
      %add3A_124 = arith.addi %mul3A_122, %add3A_123 : i32
      %mul3A_125 = arith.constant 16 : i32
      %mul3A_126 = arith.muli %add3A_124, %mul3A_125 : i32
      %swap3A_127 = arith.constant 1 : i32
      %swap3A_128 = arith.index_cast %swap3A_127 : i32 to index
      %swap3A_129 = arith.index_cast %mul3A_126 : i32 to index
      %swap3A_130 = tpu.vector_load %arg10[%swap3A_128, %swap3A_129] {strides = array<i32>} : memref<8x2048xi32, #tpu.memory_space<vmem>>, vector<16xi32>,
      tpu.vector_store %arg10[%swap3A_128, %swap3A_129], %broadcast_in_dim3A_3 {strides = array<i32>} : memref<8x2048xi32, #tpu.memory_space<vmem>>, vector<16xi32>,
      %mul3A_131 = arith.constant 2 : i32
      %mul3A_132 = arith.muli %mul3A_131, %scan3A_99 : i32
      %add3A_133 = arith.constant 1 : i32
      %add3A_134 = arith.addi %mul3A_132, %add3A_133 : i32
      %mul3A_135 = arith.constant 16 : i32
      %mul3A_136 = arith.muli %add3A_134, %mul3A_135 : i32
      %swap3A_137 = arith.constant 1 : i32
      %swap3A_138 = arith.index_cast %swap3A_137 : i32 to index
      %swap3A_139 = arith.index_cast %mul3A_136 : i32 to index
      %swap3A_140 = tpu.vector_load %arg10[%swap3A_138, %swap3A_139] {strides = array<i32>} : memref<8x2048xi32, #tpu.memory_space<vmem>>, vector<16xi32>,
      tpu.vector_store %arg10[%swap3A_138, %swap3A_139], %broadcast_in_dim3A_3 {strides = array<i32>} : memref<8x2048xi32, #tpu.memory_space<vmem>>, vector<16xi32>,
      %mul3A_141 = arith.constant 2 : i32
      %mul3A_142 = arith.muli %mul3A_141, %scan3A_99 : i32
      %add3A_143 = arith.constant 0 : i32
      %add3A_144 = arith.addi %mul3A_142, %add3A_143 : i32
      %mul3A_145 = arith.constant 16 : i32
      %mul3A_146 = arith.muli %add3A_144, %mul3A_145 : i32
      %swap3A_147 = arith.constant 2 : i32
      %swap3A_148 = arith.index_cast %swap3A_147 : i32 to index
      %swap3A_149 = arith.index_cast %mul3A_146 : i32 to index
      %swap3A_150 = tpu.vector_load %arg10[%swap3A_148, %swap3A_149] {strides = array<i32>} : memref<8x2048xi32, #tpu.memory_space<vmem>>, vector<16xi32>,
      tpu.vector_store %arg10[%swap3A_148, %swap3A_149], %broadcast_in_dim3A_3 {strides = array<i32>} : memref<8x2048xi32, #tpu.memory_space<vmem>>, vector<16xi32>,
      %mul3A_151 = arith.constant 2 : i32
      %mul3A_152 = arith.muli %mul3A_151, %scan3A_99 : i32
      %add3A_153 = arith.constant 1 : i32
      %add3A_154 = arith.addi %mul3A_152, %add3A_153 : i32
      %mul3A_155 = arith.constant 16 : i32
      %mul3A_156 = arith.muli %add3A_154, %mul3A_155 : i32
      %swap3A_157 = arith.constant 2 : i32
      %swap3A_158 = arith.index_cast %swap3A_157 : i32 to index
      %swap3A_159 = arith.index_cast %mul3A_156 : i32 to index
      %swap3A_160 = tpu.vector_load %arg10[%swap3A_158, %swap3A_159] {strides = array<i32>} : memref<8x2048xi32, #tpu.memory_space<vmem>>, vector<16xi32>,
      tpu.vector_store %arg10[%swap3A_158, %swap3A_159], %broadcast_in_dim3A_3 {strides = array<i32>} : memref<8x2048xi32, #tpu.memory_space<vmem>>, vector<16xi32>,
      %mul3A_161 = arith.constant 2 : i32
      %mul3A_162 = arith.muli %mul3A_161, %scan3A_99 : i32
      %add3A_163 = arith.constant 0 : i32
      %add3A_164 = arith.addi %mul3A_162, %add3A_163 : i32
      %mul3A_165 = arith.constant 16 : i32
      %mul3A_166 = arith.muli %add3A_164, %mul3A_165 : i32
      %swap3A_167 = arith.constant 3 : i32
      %swap3A_168 = arith.index_cast %swap3A_167 : i32 to index
      %swap3A_169 = arith.index_cast %mul3A_166 : i32 to index
      %swap3A_170 = tpu.vector_load %arg10[%swap3A_168, %swap3A_169] {strides = array<i32>} : memref<8x2048xi32, #tpu.memory_space<vmem>>, vector<16xi32>,
      tpu.vector_store %arg10[%swap3A_168, %swap3A_169], %broadcast_in_dim3A_3 {strides = array<i32>} : memref<8x2048xi32, #tpu.memory_space<vmem>>, vector<16xi32>,
      %mul3A_171 = arith.constant 2 : i32
      %mul3A_172 = arith.muli %mul3A_171, %scan3A_99 : i32
      %add3A_173 = arith.constant 1 : i32
      %add3A_174 = arith.addi %mul3A_172, %add3A_173 : i32
      %mul3A_175 = arith.constant 16 : i32
      %mul3A_176 = arith.muli %add3A_174, %mul3A_175 : i32
      %swap3A_177 = arith.constant 3 : i32
      %swap3A_178 = arith.index_cast %swap3A_177 : i32 to index
      %swap3A_179 = arith.index_cast %mul3A_176 : i32 to index
      %swap3A_180 = tpu.vector_load %arg10[%swap3A_178, %swap3A_179] {strides = array<i32>} : memref<8x2048xi32, #tpu.memory_space<vmem>>, vector<16xi32>,
      tpu.vector_store %arg10[%swap3A_178, %swap3A_179], %broadcast_in_dim3A_3 {strides = array<i32>} : memref<8x2048xi32, #tpu.memory_space<vmem>>, vector<16xi32>,
      %mul3A_181 = arith.constant 2 : i32
      %mul3A_182 = arith.muli %mul3A_181, %scan3A_99 : i32
      %add3A_183 = arith.constant 0 : i32
      %add3A_184 = arith.addi %mul3A_182, %add3A_183 : i32
      %mul3A_185 = arith.constant 16 : i32
      %mul3A_186 = arith.muli %add3A_184, %mul3A_185 : i32
      %swap3A_187 = arith.constant 4 : i32
      %swap3A_188 = arith.index_cast %swap3A_187 : i32 to index
      %swap3A_189 = arith.index_cast %mul3A_186 : i32 to index
      %swap3A_190 = tpu.vector_load %arg10[%swap3A_188, %swap3A_189] {strides = array<i32>} : memref<8x2048xi32, #tpu.memory_space<vmem>>, vector<16xi32>,
      tpu.vector_store %arg10[%swap3A_188, %swap3A_189], %broadcast_in_dim3A_3 {strides = array<i32>} : memref<8x2048xi32, #tpu.memory_space<vmem>>, vector<16xi32>,
      %mul3A_191 = arith.constant 2 : i32
      %mul3A_192 = arith.muli %mul3A_191, %scan3A_99 : i32
      %add3A_193 = arith.constant 1 : i32
      %add3A_194 = arith.addi %mul3A_192, %add3A_193 : i32
      %mul3A_195 = arith.constant 16 : i32
      %mul3A_196 = arith.muli %add3A_194, %mul3A_195 : i32
      %swap3A_197 = arith.constant 4 : i32
      %swap3A_198 = arith.index_cast %swap3A_197 : i32 to index
      %swap3A_199 = arith.index_cast %mul3A_196 : i32 to index
      %swap3A_200 = tpu.vector_load %arg10[%swap3A_198, %swap3A_199] {strides = array<i32>} : memref<8x2048xi32, #tpu.memory_space<vmem>>, vector<16xi32>,
      tpu.vector_store %arg10[%swap3A_198, %swap3A_199], %broadcast_in_dim3A_3 {strides = array<i32>} : memref<8x2048xi32, #tpu.memory_space<vmem>>, vector<16xi32>,
      %mul3A_201 = arith.constant 2 : i32
      %mul3A_202 = arith.muli %mul3A_201, %scan3A_99 : i32
      %add3A_203 = arith.constant 0 : i32
      %add3A_204 = arith.addi %mul3A_202, %add3A_203 : i32
      %mul3A_205 = arith.constant 16 : i32
      %mul3A_206 = arith.muli %add3A_204, %mul3A_205 : i32
      %swap3A_207 = arith.constant 5 : i32
      %swap3A_208 = arith.index_cast %swap3A_207 : i32 to index
      %swap3A_209 = arith.index_cast %mul3A_206 : i32 to index
      %swap3A_210 = tpu.vector_load %arg10[%swap3A_208, %swap3A_209] {strides = array<i32>} : memref<8x2048xi32, #tpu.memory_space<vmem>>, vector<16xi32>,
      tpu.vector_store %arg10[%swap3A_208, %swap3A_209], %broadcast_in_dim3A_3 {strides = array<i32>} : memref<8x2048xi32, #tpu.memory_space<vmem>>, vector<16xi32>,
      %mul3A_211 = arith.constant 2 : i32
      %mul3A_212 = arith.muli %mul3A_211, %scan3A_99 : i32
      %add3A_213 = arith.constant 1 : i32
      %add3A_214 = arith.addi %mul3A_212, %add3A_213 : i32
      %mul3A_215 = arith.constant 16 : i32
      %mul3A_216 = arith.muli %add3A_214, %mul3A_215 : i32
      %swap3A_217 = arith.constant 5 : i32
      %swap3A_218 = arith.index_cast %swap3A_217 : i32 to index
      %swap3A_219 = arith.index_cast %mul3A_216 : i32 to index
      %swap3A_220 = tpu.vector_load %arg10[%swap3A_218, %swap3A_219] {strides = array<i32>} : memref<8x2048xi32, #tpu.memory_space<vmem>>, vector<16xi32>,
      tpu.vector_store %arg10[%swap3A_218, %swap3A_219], %broadcast_in_dim3A_3 {strides = array<i32>} : memref<8x2048xi32, #tpu.memory_space<vmem>>, vector<16xi32>,
      %mul3A_221 = arith.constant 2 : i32
      %mul3A_222 = arith.muli %mul3A_221, %scan3A_99 : i32
      %add3A_223 = arith.constant 0 : i32
      %add3A_224 = arith.addi %mul3A_222, %add3A_223 : i32
      %mul3A_225 = arith.constant 16 : i32
      %mul3A_226 = arith.muli %add3A_224, %mul3A_225 : i32
      %swap3A_227 = arith.constant 6 : i32
      %swap3A_228 = arith.index_cast %swap3A_227 : i32 to index
      %swap3A_229 = arith.index_cast %mul3A_226 : i32 to index
      %swap3A_230 = tpu.vector_load %arg10[%swap3A_228, %swap3A_229] {strides = array<i32>} : memref<8x2048xi32, #tpu.memory_space<vmem>>, vector<16xi32>,
      tpu.vector_store %arg10[%swap3A_228, %swap3A_229], %broadcast_in_dim3A_3 {strides = array<i32>} : memref<8x2048xi32, #tpu.memory_space<vmem>>, vector<16xi32>,
      %mul3A_231 = arith.constant 2 : i32
      %mul3A_232 = arith.muli %mul3A_231, %scan3A_99 : i32
      %add3A_233 = arith.constant 1 : i32
      %add3A_234 = arith.addi %mul3A_232, %add3A_233 : i32
      %mul3A_235 = arith.constant 16 : i32
      %mul3A_236 = arith.muli %add3A_234, %mul3A_235 : i32
      %swap3A_237 = arith.constant 6 : i32
      %swap3A_238 = arith.index_cast %swap3A_237 : i32 to index
      %swap3A_239 = arith.index_cast %mul3A_236 : i32 to index
      %swap3A_240 = tpu.vector_load %arg10[%swap3A_238, %swap3A_239] {strides = array<i32>} : memref<8x2048xi32, #tpu.memory_space<vmem>>, vector<16xi32>,
      tpu.vector_store %arg10[%swap3A_238, %swap3A_239], %broadcast_in_dim3A_3 {strides = array<i32>} : memref<8x2048xi32, #tpu.memory_space<vmem>>, vector<16xi32>,
      %mul3A_241 = arith.constant 2 : i32
      %mul3A_242 = arith.muli %mul3A_241, %scan3A_99 : i32
      %add3A_243 = arith.constant 0 : i32
      %add3A_244 = arith.addi %mul3A_242, %add3A_243 : i32
      %mul3A_245 = arith.constant 16 : i32
      %mul3A_246 = arith.muli %add3A_244, %mul3A_245 : i32
      %swap3A_247 = arith.constant 7 : i32
      %swap3A_248 = arith.index_cast %swap3A_247 : i32 to index
      %swap3A_249 = arith.index_cast %mul3A_246 : i32 to index
      %swap3A_250 = tpu.vector_load %arg10[%swap3A_248, %swap3A_249] {strides = array<i32>} : memref<8x2048xi32, #tpu.memory_space<vmem>>, vector<16xi32>,
      tpu.vector_store %arg10[%swap3A_248, %swap3A_249], %broadcast_in_dim3A_3 {strides = array<i32>} : memref<8x2048xi32, #tpu.memory_space<vmem>>, vector<16xi32>,
      %mul3A_251 = arith.constant 2 : i32
      %mul3A_252 = arith.muli %mul3A_251, %scan3A_99 : i32
      %add3A_253 = arith.constant 1 : i32
      %add3A_254 = arith.addi %mul3A_252, %add3A_253 : i32
      %mul3A_255 = arith.constant 16 : i32
      %mul3A_256 = arith.muli %add3A_254, %mul3A_255 : i32
      %swap3A_257 = arith.constant 7 : i32
      %swap3A_258 = arith.index_cast %swap3A_257 : i32 to index
      %swap3A_259 = arith.index_cast %mul3A_256 : i32 to index
      %swap3A_260 = tpu.vector_load %arg10[%swap3A_258, %swap3A_259] {strides = array<i32>} : memref<8x2048xi32, #tpu.memory_space<vmem>>, vector<16xi32>,
      tpu.vector_store %arg10[%swap3A_258, %swap3A_259], %broadcast_in_dim3A_3 {strides = array<i32>} : memref<8x2048xi32, #tpu.memory_space<vmem>>, vector<16xi32>,
      %mul3A_261 = arith.constant 2 : i32
      %mul3A_262 = arith.muli %mul3A_261, %scan3A_99 : i32
      %add3A_263 = arith.constant 0 : i32
      %add3A_264 = arith.addi %mul3A_262, %add3A_263 : i32
      %mul3A_265 = arith.constant 16 : i32
      %mul3A_266 = arith.muli %add3A_264, %mul3A_265 : i32
      %swap3A_267 = arith.constant 0 : i32
      %swap3A_268 = arith.index_cast %swap3A_267 : i32 to index
      %swap3A_269 = arith.index_cast %mul3A_266 : i32 to index
      %swap3A_270 = tpu.vector_load %arg11[%swap3A_268, %swap3A_269] {strides = array<i32>} : memref<8x2048xi32, #tpu.memory_space<vmem>>, vector<16xi32>,
      tpu.vector_store %arg11[%swap3A_268, %swap3A_269], %broadcast_in_dim3A_3 {strides = array<i32>} : memref<8x2048xi32, #tpu.memory_space<vmem>>, vector<16xi32>,
      %mul3A_271 = arith.constant 2 : i32
      %mul3A_272 = arith.muli %mul3A_271, %scan3A_99 : i32
      %add3A_273 = arith.constant 1 : i32
      %add3A_274 = arith.addi %mul3A_272, %add3A_273 : i32
      %mul3A_275 = arith.constant 16 : i32
      %mul3A_276 = arith.muli %add3A_274, %mul3A_275 : i32
      %swap3A_277 = arith.constant 0 : i32
      %swap3A_278 = arith.index_cast %swap3A_277 : i32 to index
      %swap3A_279 = arith.index_cast %mul3A_276 : i32 to index
      %swap3A_280 = tpu.vector_load %arg11[%swap3A_278, %swap3A_279] {strides = array<i32>} : memref<8x2048xi32, #tpu.memory_space<vmem>>, vector<16xi32>,
      tpu.vector_store %arg11[%swap3A_278, %swap3A_279], %broadcast_in_dim3A_3 {strides = array<i32>} : memref<8x2048xi32, #tpu.memory_space<vmem>>, vector<16xi32>,
      %mul3A_281 = arith.constant 2 : i32
      %mul3A_282 = arith.muli %mul3A_281, %scan3A_99 : i32
      %add3A_283 = arith.constant 0 : i32
      %add3A_284 = arith.addi %mul3A_282, %add3A_283 : i32
      %mul3A_285 = arith.constant 16 : i32
      %mul3A_286 = arith.muli %add3A_284, %mul3A_285 : i32
      %swap3A_287 = arith.constant 1 : i32
      %swap3A_288 = arith.index_cast %swap3A_287 : i32 to index
      %swap3A_289 = arith.index_cast %mul3A_286 : i32 to index
      %swap3A_290 = tpu.vector_load %arg11[%swap3A_288, %swap3A_289] {strides = array<i32>} : memref<8x2048xi32, #tpu.memory_space<vmem>>, vector<16xi32>,
      tpu.vector_store %arg11[%swap3A_288, %swap3A_289], %broadcast_in_dim3A_3 {strides = array<i32>} : memref<8x2048xi32, #tpu.memory_space<vmem>>, vector<16xi32>,
      %mul3A_291 = arith.constant 2 : i32
      %mul3A_292 = arith.muli %mul3A_291, %scan3A_99 : i32
      %add3A_293 = arith.constant 1 : i32
      %add3A_294 = arith.addi %mul3A_292, %add3A_293 : i32
      %mul3A_295 = arith.constant 16 : i32
      %mul3A_296 = arith.muli %add3A_294, %mul3A_295 : i32
      %swap3A_297 = arith.constant 1 : i32
      %swap3A_298 = arith.index_cast %swap3A_297 : i32 to index
      %swap3A_299 = arith.index_cast %mul3A_296 : i32 to index
      %swap3A_300 = tpu.vector_load %arg11[%swap3A_298, %swap3A_299] {strides = array<i32>} : memref<8x2048xi32, #tpu.memory_space<vmem>>, vector<16xi32>,
      tpu.vector_store %arg11[%swap3A_298, %swap3A_299], %broadcast_in_dim3A_3 {strides = array<i32>} : memref<8x2048xi32, #tpu.memory_space<vmem>>, vector<16xi32>,
      %mul3A_301 = arith.constant 2 : i32
      %mul3A_302 = arith.muli %mul3A_301, %scan3A_99 : i32
      %add3A_303 = arith.constant 0 : i32
      %add3A_304 = arith.addi %mul3A_302, %add3A_303 : i32
      %mul3A_305 = arith.constant 16 : i32
      %mul3A_306 = arith.muli %add3A_304, %mul3A_305 : i32
      %swap3A_307 = arith.constant 2 : i32
      %swap3A_308 = arith.index_cast %swap3A_307 : i32 to index
      %swap3A_309 = arith.index_cast %mul3A_306 : i32 to index
      %swap3A_310 = tpu.vector_load %arg11[%swap3A_308, %swap3A_309] {strides = array<i32>} : memref<8x2048xi32, #tpu.memory_space<vmem>>, vector<16xi32>,
      tpu.vector_store %arg11[%swap3A_308, %swap3A_309], %broadcast_in_dim3A_3 {strides = array<i32>} : memref<8x2048xi32, #tpu.memory_space<vmem>>, vector<16xi32>,
      %mul3A_311 = arith.constant 2 : i32
      %mul3A_312 = arith.muli %mul3A_311, %scan3A_99 : i32
      %add3A_313 = arith.constant 1 : i32
      %add3A_314 = arith.addi %mul3A_312, %add3A_313 : i32
      %mul3A_315 = arith.constant 16 : i32
      %mul3A_316 = arith.muli %add3A_314, %mul3A_315 : i32
      %swap3A_317 = arith.constant 2 : i32
      %swap3A_318 = arith.index_cast %swap3A_317 : i32 to index
      %swap3A_319 = arith.index_cast %mul3A_316 : i32 to index
      %swap3A_320 = tpu.vector_load %arg11[%swap3A_318, %swap3A_319] {strides = array<i32>} : memref<8x2048xi32, #tpu.memory_space<vmem>>, vector<16xi32>,
      tpu.vector_store %arg11[%swap3A_318, %swap3A_319], %broadcast_in_dim3A_3 {strides = array<i32>} : memref<8x2048xi32, #tpu.memory_space<vmem>>, vector<16xi32>,
      %mul3A_321 = arith.constant 2 : i32
      %mul3A_322 = arith.muli %mul3A_321, %scan3A_99 : i32
      %add3A_323 = arith.constant 0 : i32
      %add3A_324 = arith.addi %mul3A_322, %add3A_323 : i32
      %mul3A_325 = arith.constant 16 : i32
      %mul3A_326 = arith.muli %add3A_324, %mul3A_325 : i32
      %swap3A_327 = arith.constant 3 : i32
      %swap3A_328 = arith.index_cast %swap3A_327 : i32 to index
      %swap3A_329 = arith.index_cast %mul3A_326 : i32 to index
      %swap3A_330 = tpu.vector_load %arg11[%swap3A_328, %swap3A_329] {strides = array<i32>} : memref<8x2048xi32, #tpu.memory_space<vmem>>, vector<16xi32>,
      tpu.vector_store %arg11[%swap3A_328, %swap3A_329], %broadcast_in_dim3A_3 {strides = array<i32>} : memref<8x2048xi32, #tpu.memory_space<vmem>>, vector<16xi32>,
      %mul3A_331 = arith.constant 2 : i32
      %mul3A_332 = arith.muli %mul3A_331, %scan3A_99 : i32
      %add3A_333 = arith.constant 1 : i32
      %add3A_334 = arith.addi %mul3A_332, %add3A_333 : i32
      %mul3A_335 = arith.constant 16 : i32
      %mul3A_336 = arith.muli %add3A_334, %mul3A_335 : i32
      %swap3A_337 = arith.constant 3 : i32
      %swap3A_338 = arith.index_cast %swap3A_337 : i32 to index
      %swap3A_339 = arith.index_cast %mul3A_336 : i32 to index
      %swap3A_340 = tpu.vector_load %arg11[%swap3A_338, %swap3A_339] {strides = array<i32>} : memref<8x2048xi32, #tpu.memory_space<vmem>>, vector<16xi32>,
      tpu.vector_store %arg11[%swap3A_338, %swap3A_339], %broadcast_in_dim3A_3 {strides = array<i32>} : memref<8x2048xi32, #tpu.memory_space<vmem>>, vector<16xi32>,
      %mul3A_341 = arith.constant 2 : i32
      %mul3A_342 = arith.muli %mul3A_341, %scan3A_99 : i32
      %add3A_343 = arith.constant 0 : i32
      %add3A_344 = arith.addi %mul3A_342, %add3A_343 : i32
      %mul3A_345 = arith.constant 16 : i32
      %mul3A_346 = arith.muli %add3A_344, %mul3A_345 : i32
      %swap3A_347 = arith.constant 4 : i32
      %swap3A_348 = arith.index_cast %swap3A_347 : i32 to index
      %swap3A_349 = arith.index_cast %mul3A_346 : i32 to index
      %swap3A_350 = tpu.vector_load %arg11[%swap3A_348, %swap3A_349] {strides = array<i32>} : memref<8x2048xi32, #tpu.memory_space<vmem>>, vector<16xi32>,
      tpu.vector_store %arg11[%swap3A_348, %swap3A_349], %broadcast_in_dim3A_3 {strides = array<i32>} : memref<8x2048xi32, #tpu.memory_space<vmem>>, vector<16xi32>,
      %mul3A_351 = arith.constant 2 : i32
      %mul3A_352 = arith.muli %mul3A_351, %scan3A_99 : i32
      %add3A_353 = arith.constant 1 : i32
      %add3A_354 = arith.addi %mul3A_352, %add3A_353 : i32
      %mul3A_355 = arith.constant 16 : i32
      %mul3A_356 = arith.muli %add3A_354, %mul3A_355 : i32
      %swap3A_357 = arith.constant 4 : i32
      %swap3A_358 = arith.index_cast %swap3A_357 : i32 to index
      %swap3A_359 = arith.index_cast %mul3A_356 : i32 to index
      %swap3A_360 = tpu.vector_load %arg11[%swap3A_358, %swap3A_359] {strides = array<i32>} : memref<8x2048xi32, #tpu.memory_space<vmem>>, vector<16xi32>,
      tpu.vector_store %arg11[%swap3A_358, %swap3A_359], %broadcast_in_dim3A_3 {strides = array<i32>} : memref<8x2048xi32, #tpu.memory_space<vmem>>, vector<16xi32>,
      %mul3A_361 = arith.constant 2 : i32
      %mul3A_362 = arith.muli %mul3A_361, %scan3A_99 : i32
      %add3A_363 = arith.constant 0 : i32
      %add3A_364 = arith.addi %mul3A_362, %add3A_363 : i32
      %mul3A_365 = arith.constant 16 : i32
      %mul3A_366 = arith.muli %add3A_364, %mul3A_365 : i32
      %swap3A_367 = arith.constant 5 : i32
      %swap3A_368 = arith.index_cast %swap3A_367 : i32 to index
      %swap3A_369 = arith.index_cast %mul3A_366 : i32 to index
      %swap3A_370 = tpu.vector_load %arg11[%swap3A_368, %swap3A_369] {strides = array<i32>} : memref<8x2048xi32, #tpu.memory_space<vmem>>, vector<16xi32>,
      tpu.vector_store %arg11[%swap3A_368, %swap3A_369], %broadcast_in_dim3A_3 {strides = array<i32>} : memref<8x2048xi32, #tpu.memory_space<vmem>>, vector<16xi32>,
      %mul3A_371 = arith.constant 2 : i32
      %mul3A_372 = arith.muli %mul3A_371, %scan3A_99 : i32
      %add3A_373 = arith.constant 1 : i32
      %add3A_374 = arith.addi %mul3A_372, %add3A_373 : i32
      %mul3A_375 = arith.constant 16 : i32
      %mul3A_376 = arith.muli %add3A_374, %mul3A_375 : i32
      %swap3A_377 = arith.constant 5 : i32
      %swap3A_378 = arith.index_cast %swap3A_377 : i32 to index
      %swap3A_379 = arith.index_cast %mul3A_376 : i32 to index
      %swap3A_380 = tpu.vector_load %arg11[%swap3A_378, %swap3A_379] {strides = array<i32>} : memref<8x2048xi32, #tpu.memory_space<vmem>>, vector<16xi32>,
      tpu.vector_store %arg11[%swap3A_378, %swap3A_379], %broadcast_in_dim3A_3 {strides = array<i32>} : memref<8x2048xi32, #tpu.memory_space<vmem>>, vector<16xi32>,
      %mul3A_381 = arith.constant 2 : i32
      %mul3A_382 = arith.muli %mul3A_381, %scan3A_99 : i32
      %add3A_383 = arith.constant 0 : i32
      %add3A_384 = arith.addi %mul3A_382, %add3A_383 : i32
      %mul3A_385 = arith.constant 16 : i32
      %mul3A_386 = arith.muli %add3A_384, %mul3A_385 : i32
      %swap3A_387 = arith.constant 6 : i32
      %swap3A_388 = arith.index_cast %swap3A_387 : i32 to index
      %swap3A_389 = arith.index_cast %mul3A_386 : i32 to index
      %swap3A_390 = tpu.vector_load %arg11[%swap3A_388, %swap3A_389] {strides = array<i32>} : memref<8x2048xi32, #tpu.memory_space<vmem>>, vector<16xi32>,
      tpu.vector_store %arg11[%swap3A_388, %swap3A_389], %broadcast_in_dim3A_3 {strides = array<i32>} : memref<8x2048xi32, #tpu.memory_space<vmem>>, vector<16xi32>,
      %mul3A_391 = arith.constant 2 : i32
      %mul3A_392 = arith.muli %mul3A_391, %scan3A_99 : i32
      %add3A_393 = arith.constant 1 : i32
      %add3A_394 = arith.addi %mul3A_392, %add3A_393 : i32
      %mul3A_395 = arith.constant 16 : i32
      %mul3A_396 = arith.muli %add3A_394, %mul3A_395 : i32
      %swap3A_397 = arith.constant 6 : i32
      %swap3A_398 = arith.index_cast %swap3A_397 : i32 to index
      %swap3A_399 = arith.index_cast %mul3A_396 : i32 to index
      %swap3A_400 = tpu.vector_load %arg11[%swap3A_398, %swap3A_399] {strides = array<i32>} : memref<8x2048xi32, #tpu.memory_space<vmem>>, vector<16xi32>,
      tpu.vector_store %arg11[%swap3A_398, %swap3A_399], %broadcast_in_dim3A_3 {strides = array<i32>} : memref<8x2048xi32, #tpu.memory_space<vmem>>, vector<16xi32>,
      %mul3A_401 = arith.constant 2 : i32
      %mul3A_402 = arith.muli %mul3A_401, %scan3A_99 : i32
      %add3A_403 = arith.constant 0 : i32
      %add3A_404 = arith.addi %mul3A_402, %add3A_403 : i32
      %mul3A_405 = arith.constant 16 : i32
      %mul3A_406 = arith.muli %add3A_404, %mul3A_405 : i32
      %swap3A_407 = arith.constant 7 : i32
      %swap3A_408 = arith.index_cast %swap3A_407 : i32 to index
      %swap3A_409 = arith.index_cast %mul3A_406 : i32 to index
      %swap3A_410 = tpu.vector_load %arg11[%swap3A_408, %swap3A_409] {strides = array<i32>} : memref<8x2048xi32, #tpu.memory_space<vmem>>, vector<16xi32>,
      tpu.vector_store %arg11[%swap3A_408, %swap3A_409], %broadcast_in_dim3A_3 {strides = array<i32>} : memref<8x2048xi32, #tpu.memory_space<vmem>>, vector<16xi32>,
      %mul3A_411 = arith.constant 2 : i32
      %mul3A_412 = arith.muli %mul3A_411, %scan3A_99 : i32
      %add3A_413 = arith.constant 1 : i32
      %add3A_414 = arith.addi %mul3A_412, %add3A_413 : i32
      %mul3A_415 = arith.constant 16 : i32
      %mul3A_416 = arith.muli %add3A_414, %mul3A_415 : i32
      %swap3A_417 = arith.constant 7 : i32
      %swap3A_418 = arith.index_cast %swap3A_417 : i32 to index
      %swap3A_419 = arith.index_cast %mul3A_416 : i32 to index
      %swap3A_420 = tpu.vector_load %arg11[%swap3A_418, %swap3A_419] {strides = array<i32>} : memref<8x2048xi32, #tpu.memory_space<vmem>>, vector<16xi32>,
      tpu.vector_store %arg11[%swap3A_418, %swap3A_419], %broadcast_in_dim3A_3 {strides = array<i32>} : memref<8x2048xi32, #tpu.memory_space<vmem>>, vector<16xi32>,
      %scan3A_421 = arith.constant 0 : i32
      scf.yield %scan3A_421 : i32
    }
    %scan3A_62 = arith.constant 64 : i32
    %swap3A = arith.constant 0 : index
    %swap3A_63 = tpu.vector_load %arg13[%swap3A] {strides = array<i32>} : memref<16xi32, #tpu.memory_space<vmem>>, vector<16xi32>,
    tpu.vector_store %arg13[%swap3A], %broadcast_in_dim3A_3 {strides = array<i32>} : memref<16xi32, #tpu.memory_space<vmem>>, vector<16xi32>,
    %swap3A_64 = arith.constant 0 : index
    %swap3A_65 = tpu.vector_load %arg14[%swap3A_64] {strides = array<i32>} : memref<16xi32, #tpu.memory_space<vmem>>, vector<16xi32>,
    tpu.vector_store %arg14[%swap3A_64], %broadcast_in_dim3A_3 {strides = array<i32>} : memref<16xi32, #tpu.memory_space<vmem>>, vector<16xi32>,
    %scan3A_66 = arith.constant 0 : i32
    %scan3A_67 = arith.constant 0 : i32
    %scan3A_68 = arith.constant 16 : i32
    %scan3A_69 = arith.addi %scan3A_67, %scan3A_68 : i32
    %scan3A_70 = arith.constant 1 : i32
    %scan3A_71 = scf.for %scan3A_99 = %scan3A_67 to %scan3A_69 step %scan3A_70 iter_args(%scan3A_100 = %scan3A_66) -> (i32)  : i32 {
      %mul3A_101 = arith.constant 2 : i32
      %mul3A_102 = arith.muli %mul3A_101, %scan3A_99 : i32
      %add3A_103 = arith.constant 0 : i32
      %add3A_104 = arith.addi %mul3A_102, %add3A_103 : i32
      %add3A_105 = arith.addi %mul3A_2, %add3A_104 : i32
      %gt3A = arith.constant 0 : i32
      %gt3A_106 = arith.cmpi sgt, %scan3A_99, %gt3A : i32
      %convert_element_type3A = arith.extui %gt3A_106 : i1 to i32
      %cond3A = arith.constant 0 : i32
      %cond3A_107 = arith.cmpi ne, %convert_element_type3A, %cond3A : i32
      scf.if %cond3A_107 {
        %sub3A_316 = arith.constant 2 : i32
        %sub3A_317 = arith.subi %add3A_105, %sub3A_316 : i32
        %dma_wait3A_318 = arith.constant 0 : i32
        %dma_wait3A_319 = arith.constant 0 : i32
        %dma_wait3A_320 = tpu.memref_slice %arg3[%sub3A_317, %dma_wait3A_318, %dma_wait3A_319] : memref<1024x8x2048xi32, #tpu.memory_space<hbm>> -> memref<1x8x2048xi32, #tpu.memory_space<hbm>>
        %dma_wait3A_321 = tpu.memref_squeeze %dma_wait3A_320 : memref<1x8x2048xi32, #tpu.memory_space<hbm>> -> memref<8x2048xi32, #tpu.memory_space<hbm>>
        %dma_wait3A_322 = arith.constant 0 : i32
        %dma_wait3A_323 = arith.constant 0 : i32
        %dma_wait3A_324 = tpu.memref_slice %arg3[%sub3A_317, %dma_wait3A_322, %dma_wait3A_323] : memref<1024x8x2048xi32, #tpu.memory_space<hbm>> -> memref<1x8x2048xi32, #tpu.memory_space<hbm>>
        %dma_wait3A_325 = tpu.memref_squeeze %dma_wait3A_324 : memref<1x8x2048xi32, #tpu.memory_space<hbm>> -> memref<8x2048xi32, #tpu.memory_space<hbm>>
        tpu.wait_dma2 semaphore(%arg17 : memref<!tpu.dma_semaphore, #tpu.memory_space<semaphore_mem>>) src(%arg10 : memref<8x2048xi32, #tpu.memory_space<vmem>>) dst(%dma_wait3A_325 : memref<8x2048xi32, #tpu.memory_space<hbm>>)
      } else {
      }
      %swap3A_108 = arith.constant 0 : index
      %swap3A_109 = tpu.vector_load %arg12[%swap3A_108] {strides = array<i32>} : memref<16xi32, #tpu.memory_space<vmem>>, vector<16xi32>,
      tpu.vector_store %arg12[%swap3A_108], %broadcast_in_dim3A_3 {strides = array<i32>} : memref<16xi32, #tpu.memory_space<vmem>>, vector<16xi32>,
      %dma_wait3A_110 = arith.constant 0 : i32
      %dma_wait3A_111 = arith.constant 0 : i32
      %dma_wait3A_112 = tpu.memref_slice %arg2[%dma_wait3A_110, %add3A_105, %dma_wait3A_111] : memref<3x1024x2048xf32, #tpu.memory_space<hbm>> -> memref<1x1x2048xf32, #tpu.memory_space<hbm>>
      %dma_wait3A_113 = tpu.memref_squeeze %dma_wait3A_112 : memref<1x1x2048xf32, #tpu.memory_space<hbm>> -> memref<2048xf32, #tpu.memory_space<hbm>>
      %dma_wait3A_114 = arith.constant 0 : i32
      %dma_wait3A_115 = tpu.memref_slice %arg2[%dma_wait3A_110, %add3A_105, %dma_wait3A_114] : memref<3x1024x2048xf32, #tpu.memory_space<hbm>> -> memref<1x1x2048xf32, #tpu.memory_space<hbm>>
      %dma_wait3A_116 = tpu.memref_squeeze %dma_wait3A_115 : memref<1x1x2048xf32, #tpu.memory_space<hbm>> -> memref<2048xf32, #tpu.memory_space<hbm>>
      tpu.wait_dma2 semaphore(%arg15 : memref<!tpu.dma_semaphore, #tpu.memory_space<semaphore_mem>>) src(%dma_wait3A_116 : memref<2048xf32, #tpu.memory_space<hbm>>) dst(%arg4 : memref<2048xf32, #tpu.memory_space<vmem>>)
      %dma_wait3A_117 = arith.constant 1 : i32
      %dma_wait3A_118 = arith.constant 0 : i32
      %dma_wait3A_119 = tpu.memref_slice %arg2[%dma_wait3A_117, %add3A_105, %dma_wait3A_118] : memref<3x1024x2048xf32, #tpu.memory_space<hbm>> -> memref<1x1x2048xf32, #tpu.memory_space<hbm>>
      %dma_wait3A_120 = tpu.memref_squeeze %dma_wait3A_119 : memref<1x1x2048xf32, #tpu.memory_space<hbm>> -> memref<2048xf32, #tpu.memory_space<hbm>>
      %dma_wait3A_121 = arith.constant 0 : i32
      %dma_wait3A_122 = tpu.memref_slice %arg2[%dma_wait3A_117, %add3A_105, %dma_wait3A_121] : memref<3x1024x2048xf32, #tpu.memory_space<hbm>> -> memref<1x1x2048xf32, #tpu.memory_space<hbm>>
      %dma_wait3A_123 = tpu.memref_squeeze %dma_wait3A_122 : memref<1x1x2048xf32, #tpu.memory_space<hbm>> -> memref<2048xf32, #tpu.memory_space<hbm>>
      tpu.wait_dma2 semaphore(%arg15 : memref<!tpu.dma_semaphore, #tpu.memory_space<semaphore_mem>>) src(%dma_wait3A_123 : memref<2048xf32, #tpu.memory_space<hbm>>) dst(%arg5 : memref<2048xf32, #tpu.memory_space<vmem>>)
      %dma_wait3A_124 = arith.constant 2 : i32
      %dma_wait3A_125 = arith.constant 0 : i32
      %dma_wait3A_126 = tpu.memref_slice %arg2[%dma_wait3A_124, %add3A_105, %dma_wait3A_125] : memref<3x1024x2048xf32, #tpu.memory_space<hbm>> -> memref<1x1x2048xf32, #tpu.memory_space<hbm>>
      %dma_wait3A_127 = tpu.memref_squeeze %dma_wait3A_126 : memref<1x1x2048xf32, #tpu.memory_space<hbm>> -> memref<2048xf32, #tpu.memory_space<hbm>>
      %dma_wait3A_128 = arith.constant 0 : i32
      %dma_wait3A_129 = tpu.memref_slice %arg2[%dma_wait3A_124, %add3A_105, %dma_wait3A_128] : memref<3x1024x2048xf32, #tpu.memory_space<hbm>> -> memref<1x1x2048xf32, #tpu.memory_space<hbm>>
      %dma_wait3A_130 = tpu.memref_squeeze %dma_wait3A_129 : memref<1x1x2048xf32, #tpu.memory_space<hbm>> -> memref<2048xf32, #tpu.memory_space<hbm>>
      tpu.wait_dma2 semaphore(%arg15 : memref<!tpu.dma_semaphore, #tpu.memory_space<semaphore_mem>>) src(%dma_wait3A_130 : memref<2048xf32, #tpu.memory_space<hbm>>) dst(%arg6 : memref<2048xf32, #tpu.memory_space<vmem>>)
      %scan3A_131 = arith.constant 0 : i32
      %scan3A_132 = arith.constant 0 : i32
      %scan3A_133 = arith.constant 32 : i32
      %scan3A_134 = arith.addi %scan3A_132, %scan3A_133 : i32
      %scan3A_135 = arith.constant 1 : i32
      %scan3A_136 = scf.for %scan3A_316 = %scan3A_132 to %scan3A_134 step %scan3A_135 iter_args(%scan3A_317 = %scan3A_131) -> (i32)  : i32 {
        %mul3A_318 = arith.constant 4 : i32
        %mul3A_319 = arith.muli %mul3A_318, %scan3A_316 : i32
        %add3A_320 = arith.constant 0 : i32
        %add3A_321 = arith.addi %mul3A_319, %add3A_320 : i32
        %sub3A_322 = arith.constant 127 : i32
        %sub3A_323 = arith.subi %sub3A_322, %add3A_321 : i32
        %mul3A_324 = arith.constant 16 : i32
        %mul3A_325 = arith.muli %sub3A_323, %mul3A_324 : i32
        %get3A_326 = arith.index_cast %mul3A_325 : i32 to index
        %get3A_327 = tpu.vector_load %arg4[%get3A_326] {strides = array<i32>} : memref<2048xf32, #tpu.memory_space<vmem>>, vector<16xf32>,
        %get3A_328 = arith.index_cast %mul3A_325 : i32 to index
        %get3A_329 = tpu.vector_load %arg5[%get3A_328] {strides = array<i32>} : memref<2048xf32, #tpu.memory_space<vmem>>, vector<16xf32>,
        %get3A_330 = arith.index_cast %mul3A_325 : i32 to index
        %get3A_331 = tpu.vector_load %arg6[%get3A_330] {strides = array<i32>} : memref<2048xf32, #tpu.memory_space<vmem>>, vector<16xf32>,
        %gt3A_332 = arith.constant 0.000000e+00 : f32
        %gt3A_333 = vector.broadcast %gt3A_332 : f32 to vector<16xf32>
        %gt3A_334 = arith.cmpf ogt, %get3A_327, %gt3A_333 : vector<16xf32>
        %jit3A = arith.constant 4 : i32
        %jit3A_335 = arith.constant 0 : i32
        %broadcast_in_dim3A_336 = vector.broadcast %jit3A : i32 to vector<16xi32>
        %broadcast_in_dim3A_337 = vector.broadcast %jit3A_335 : i32 to vector<16xi32>
        %select_n3A_338 = arith.select %gt3A_334, %broadcast_in_dim3A_336, %broadcast_in_dim3A_337 : vector<16xi1>, vector<16xi32>
        %gt3A_339 = arith.constant 0.000000e+00 : f32
        %gt3A_340 = vector.broadcast %gt3A_339 : f32 to vector<16xf32>
        %gt3A_341 = arith.cmpf ogt, %get3A_329, %gt3A_340 : vector<16xf32>
        %jit3A_342 = arith.constant 2 : i32
        %jit3A_343 = arith.constant 0 : i32
        %broadcast_in_dim3A_344 = vector.broadcast %jit3A_342 : i32 to vector<16xi32>
        %broadcast_in_dim3A_345 = vector.broadcast %jit3A_343 : i32 to vector<16xi32>
        %select_n3A_346 = arith.select %gt3A_341, %broadcast_in_dim3A_344, %broadcast_in_dim3A_345 : vector<16xi1>, vector<16xi32>
        %add3A_347 = arith.addi %select_n3A_338, %select_n3A_346 : vector<16xi32>
        %gt3A_348 = arith.constant 0.000000e+00 : f32
        %gt3A_349 = vector.broadcast %gt3A_348 : f32 to vector<16xf32>
        %gt3A_350 = arith.cmpf ogt, %get3A_331, %gt3A_349 : vector<16xf32>
        %jit3A_351 = arith.constant 1 : i32
        %jit3A_352 = arith.constant 0 : i32
        %broadcast_in_dim3A_353 = vector.broadcast %jit3A_351 : i32 to vector<16xi32>
        %broadcast_in_dim3A_354 = vector.broadcast %jit3A_352 : i32 to vector<16xi32>
        %select_n3A_355 = arith.select %gt3A_350, %broadcast_in_dim3A_353, %broadcast_in_dim3A_354 : vector<16xi1>, vector<16xi32>
        %add3A_356 = arith.addi %add3A_347, %select_n3A_355 : vector<16xi32>
        %rev3A = arith.constant 15 : i32
        %rev3A_357 = vector.broadcast %rev3A : i32 to vector<16xi32>
        %rev3A_358 = tpu.iota {dimensions = array<i32: 0>} : vector<16xi32>
        %rev3A_359 = arith.subi %rev3A_357, %rev3A_358 : vector<16xi32>
        %rev3A_360 = tpu.dynamic_gather %add3A_356[%rev3A_359] in [0] : vector<16xi32>, vector<16xi32> -> vector<16xi32>
        %add3A_361 = arith.constant 16 : i32
        %add3A_362 = arith.addi %mul3A_325, %add3A_361 : i32
        %sub3A_363 = arith.constant 1 : i32
        %sub3A_364 = arith.subi %add3A_362, %sub3A_363 : i32
        %sub3A_365 = vector.broadcast %sub3A_364 : i32 to vector<16xi32>
        %sub3A_366 = arith.subi %sub3A_365, %iota3A : vector<16xi32>
        %broadcast_in_dim3A_367 = arith.constant true
        %broadcast_in_dim3A_368 = vector.broadcast %broadcast_in_dim3A_367 : i1 to vector<16xi1>
        %unique3A, %unique3A_369 = tpu.scan_count mask(%broadcast_in_dim3A_368 : vector<16xi1>) value(%rev3A_360 : vector<16xi32>) : vector<16xi1>, vector<16xi32>
        %gather3A_370 = arith.constant 0 : i32
        %gather3A_371 = tpu.memref_slice %arg12[%gather3A_370] : memref<16xi32, #tpu.memory_space<vmem>> -> memref<16xi32, #tpu.memory_space<vmem>>
        %gather3A_372 = tpu.vector_load_idx %gather3A_371[%rev3A_360] : memref<16xi32, #tpu.memory_space<vmem>>[vector<16xi32>], vector<16xi32>,
        %add3A_373 = arith.addi %gather3A_372, %unique3A_369 : vector<16xi32>
        %sub3A_374 = arith.constant 1 : i32
        %sub3A_375 = vector.broadcast %sub3A_374 : i32 to vector<16xi32>
        %sub3A_376 = arith.subi %add3A_373, %sub3A_375 : vector<16xi32>
        %scatter3A = arith.constant 0 : i32
        %scatter3A_377 = arith.constant 0 : i32
        %scatter3A_378 = tpu.memref_slice %arg10[%scatter3A, %scatter3A_377] : memref<8x2048xi32, #tpu.memory_space<vmem>> -> memref<8x2048xi32, #tpu.memory_space<vmem>>
        tpu.vector_store_idx %scatter3A_378[%rev3A_360, %sub3A_376], %sub3A_366 : memref<8x2048xi32, #tpu.memory_space<vmem>>[vector<16xi32>, vector<16xi32>], vector<16xi32>,
        %scatter3A_379 = arith.constant 0 : i32
        %scatter3A_380 = tpu.memref_slice %arg12[%scatter3A_379] : memref<16xi32, #tpu.memory_space<vmem>> -> memref<16xi32, #tpu.memory_space<vmem>>
        tpu.vector_store_idx %scatter3A_380[%rev3A_360], %add3A_373 masked %unique3A : memref<16xi32, #tpu.memory_space<vmem>>[vector<16xi32>], vector<16xi32>, vector<16xi1>
        %mul3A_381 = arith.constant 4 : i32
        %mul3A_382 = arith.muli %mul3A_381, %scan3A_316 : i32
        %add3A_383 = arith.constant 1 : i32
        %add3A_384 = arith.addi %mul3A_382, %add3A_383 : i32
        %sub3A_385 = arith.constant 127 : i32
        %sub3A_386 = arith.subi %sub3A_385, %add3A_384 : i32
        %mul3A_387 = arith.constant 16 : i32
        %mul3A_388 = arith.muli %sub3A_386, %mul3A_387 : i32
        %get3A_389 = arith.index_cast %mul3A_388 : i32 to index
        %get3A_390 = tpu.vector_load %arg4[%get3A_389] {strides = array<i32>} : memref<2048xf32, #tpu.memory_space<vmem>>, vector<16xf32>,
        %get3A_391 = arith.index_cast %mul3A_388 : i32 to index
        %get3A_392 = tpu.vector_load %arg5[%get3A_391] {strides = array<i32>} : memref<2048xf32, #tpu.memory_space<vmem>>, vector<16xf32>,
        %get3A_393 = arith.index_cast %mul3A_388 : i32 to index
        %get3A_394 = tpu.vector_load %arg6[%get3A_393] {strides = array<i32>} : memref<2048xf32, #tpu.memory_space<vmem>>, vector<16xf32>,
        %gt3A_395 = arith.constant 0.000000e+00 : f32
        %gt3A_396 = vector.broadcast %gt3A_395 : f32 to vector<16xf32>
        %gt3A_397 = arith.cmpf ogt, %get3A_390, %gt3A_396 : vector<16xf32>
        %jit3A_398 = arith.constant 4 : i32
        %jit3A_399 = arith.constant 0 : i32
        %broadcast_in_dim3A_400 = vector.broadcast %jit3A_398 : i32 to vector<16xi32>
        %broadcast_in_dim3A_401 = vector.broadcast %jit3A_399 : i32 to vector<16xi32>
        %select_n3A_402 = arith.select %gt3A_397, %broadcast_in_dim3A_400, %broadcast_in_dim3A_401 : vector<16xi1>, vector<16xi32>
        %gt3A_403 = arith.constant 0.000000e+00 : f32
        %gt3A_404 = vector.broadcast %gt3A_403 : f32 to vector<16xf32>
        %gt3A_405 = arith.cmpf ogt, %get3A_392, %gt3A_404 : vector<16xf32>
        %jit3A_406 = arith.constant 2 : i32
        %jit3A_407 = arith.constant 0 : i32
        %broadcast_in_dim3A_408 = vector.broadcast %jit3A_406 : i32 to vector<16xi32>
        %broadcast_in_dim3A_409 = vector.broadcast %jit3A_407 : i32 to vector<16xi32>
        %select_n3A_410 = arith.select %gt3A_405, %broadcast_in_dim3A_408, %broadcast_in_dim3A_409 : vector<16xi1>, vector<16xi32>
        %add3A_411 = arith.addi %select_n3A_402, %select_n3A_410 : vector<16xi32>
        %gt3A_412 = arith.constant 0.000000e+00 : f32
        %gt3A_413 = vector.broadcast %gt3A_412 : f32 to vector<16xf32>
        %gt3A_414 = arith.cmpf ogt, %get3A_394, %gt3A_413 : vector<16xf32>
        %jit3A_415 = arith.constant 1 : i32
        %jit3A_416 = arith.constant 0 : i32
        %broadcast_in_dim3A_417 = vector.broadcast %jit3A_415 : i32 to vector<16xi32>
        %broadcast_in_dim3A_418 = vector.broadcast %jit3A_416 : i32 to vector<16xi32>
        %select_n3A_419 = arith.select %gt3A_414, %broadcast_in_dim3A_417, %broadcast_in_dim3A_418 : vector<16xi1>, vector<16xi32>
        %add3A_420 = arith.addi %add3A_411, %select_n3A_419 : vector<16xi32>
        %rev3A_421 = arith.constant 15 : i32
        %rev3A_422 = vector.broadcast %rev3A_421 : i32 to vector<16xi32>
        %rev3A_423 = tpu.iota {dimensions = array<i32: 0>} : vector<16xi32>
        %rev3A_424 = arith.subi %rev3A_422, %rev3A_423 : vector<16xi32>
        %rev3A_425 = tpu.dynamic_gather %add3A_420[%rev3A_424] in [0] : vector<16xi32>, vector<16xi32> -> vector<16xi32>
        %add3A_426 = arith.constant 16 : i32
        %add3A_427 = arith.addi %mul3A_388, %add3A_426 : i32
        %sub3A_428 = arith.constant 1 : i32
        %sub3A_429 = arith.subi %add3A_427, %sub3A_428 : i32
        %sub3A_430 = vector.broadcast %sub3A_429 : i32 to vector<16xi32>
        %sub3A_431 = arith.subi %sub3A_430, %iota3A : vector<16xi32>
        %broadcast_in_dim3A_432 = arith.constant true
        %broadcast_in_dim3A_433 = vector.broadcast %broadcast_in_dim3A_432 : i1 to vector<16xi1>
        %unique3A_434, %unique3A_435 = tpu.scan_count mask(%broadcast_in_dim3A_433 : vector<16xi1>) value(%rev3A_425 : vector<16xi32>) : vector<16xi1>, vector<16xi32>
        %gather3A_436 = arith.constant 0 : i32
        %gather3A_437 = tpu.memref_slice %arg12[%gather3A_436] : memref<16xi32, #tpu.memory_space<vmem>> -> memref<16xi32, #tpu.memory_space<vmem>>
        %gather3A_438 = tpu.vector_load_idx %gather3A_437[%rev3A_425] : memref<16xi32, #tpu.memory_space<vmem>>[vector<16xi32>], vector<16xi32>,
        %add3A_439 = arith.addi %gather3A_438, %unique3A_435 : vector<16xi32>
        %sub3A_440 = arith.constant 1 : i32
        %sub3A_441 = vector.broadcast %sub3A_440 : i32 to vector<16xi32>
        %sub3A_442 = arith.subi %add3A_439, %sub3A_441 : vector<16xi32>
        %scatter3A_443 = arith.constant 0 : i32
        %scatter3A_444 = arith.constant 0 : i32
        %scatter3A_445 = tpu.memref_slice %arg10[%scatter3A_443, %scatter3A_444] : memref<8x2048xi32, #tpu.memory_space<vmem>> -> memref<8x2048xi32, #tpu.memory_space<vmem>>
        tpu.vector_store_idx %scatter3A_445[%rev3A_425, %sub3A_442], %sub3A_431 : memref<8x2048xi32, #tpu.memory_space<vmem>>[vector<16xi32>, vector<16xi32>], vector<16xi32>,
        %scatter3A_446 = arith.constant 0 : i32
        %scatter3A_447 = tpu.memref_slice %arg12[%scatter3A_446] : memref<16xi32, #tpu.memory_space<vmem>> -> memref<16xi32, #tpu.memory_space<vmem>>
        tpu.vector_store_idx %scatter3A_447[%rev3A_425], %add3A_439 masked %unique3A_434 : memref<16xi32, #tpu.memory_space<vmem>>[vector<16xi32>], vector<16xi32>, vector<16xi1>
        %mul3A_448 = arith.constant 4 : i32
        %mul3A_449 = arith.muli %mul3A_448, %scan3A_316 : i32
        %add3A_450 = arith.constant 2 : i32
        %add3A_451 = arith.addi %mul3A_449, %add3A_450 : i32
        %sub3A_452 = arith.constant 127 : i32
        %sub3A_453 = arith.subi %sub3A_452, %add3A_451 : i32
        %mul3A_454 = arith.constant 16 : i32
        %mul3A_455 = arith.muli %sub3A_453, %mul3A_454 : i32
        %get3A_456 = arith.index_cast %mul3A_455 : i32 to index
        %get3A_457 = tpu.vector_load %arg4[%get3A_456] {strides = array<i32>} : memref<2048xf32, #tpu.memory_space<vmem>>, vector<16xf32>,
        %get3A_458 = arith.index_cast %mul3A_455 : i32 to index
        %get3A_459 = tpu.vector_load %arg5[%get3A_458] {strides = array<i32>} : memref<2048xf32, #tpu.memory_space<vmem>>, vector<16xf32>,
        %get3A_460 = arith.index_cast %mul3A_455 : i32 to index
        %get3A_461 = tpu.vector_load %arg6[%get3A_460] {strides = array<i32>} : memref<2048xf32, #tpu.memory_space<vmem>>, vector<16xf32>,
        %gt3A_462 = arith.constant 0.000000e+00 : f32
        %gt3A_463 = vector.broadcast %gt3A_462 : f32 to vector<16xf32>
        %gt3A_464 = arith.cmpf ogt, %get3A_457, %gt3A_463 : vector<16xf32>
        %jit3A_465 = arith.constant 4 : i32
        %jit3A_466 = arith.constant 0 : i32
        %broadcast_in_dim3A_467 = vector.broadcast %jit3A_465 : i32 to vector<16xi32>
        %broadcast_in_dim3A_468 = vector.broadcast %jit3A_466 : i32 to vector<16xi32>
        %select_n3A_469 = arith.select %gt3A_464, %broadcast_in_dim3A_467, %broadcast_in_dim3A_468 : vector<16xi1>, vector<16xi32>
        %gt3A_470 = arith.constant 0.000000e+00 : f32
        %gt3A_471 = vector.broadcast %gt3A_470 : f32 to vector<16xf32>
        %gt3A_472 = arith.cmpf ogt, %get3A_459, %gt3A_471 : vector<16xf32>
        %jit3A_473 = arith.constant 2 : i32
        %jit3A_474 = arith.constant 0 : i32
        %broadcast_in_dim3A_475 = vector.broadcast %jit3A_473 : i32 to vector<16xi32>
        %broadcast_in_dim3A_476 = vector.broadcast %jit3A_474 : i32 to vector<16xi32>
        %select_n3A_477 = arith.select %gt3A_472, %broadcast_in_dim3A_475, %broadcast_in_dim3A_476 : vector<16xi1>, vector<16xi32>
        %add3A_478 = arith.addi %select_n3A_469, %select_n3A_477 : vector<16xi32>
        %gt3A_479 = arith.constant 0.000000e+00 : f32
        %gt3A_480 = vector.broadcast %gt3A_479 : f32 to vector<16xf32>
        %gt3A_481 = arith.cmpf ogt, %get3A_461, %gt3A_480 : vector<16xf32>
        %jit3A_482 = arith.constant 1 : i32
        %jit3A_483 = arith.constant 0 : i32
        %broadcast_in_dim3A_484 = vector.broadcast %jit3A_482 : i32 to vector<16xi32>
        %broadcast_in_dim3A_485 = vector.broadcast %jit3A_483 : i32 to vector<16xi32>
        %select_n3A_486 = arith.select %gt3A_481, %broadcast_in_dim3A_484, %broadcast_in_dim3A_485 : vector<16xi1>, vector<16xi32>
        %add3A_487 = arith.addi %add3A_478, %select_n3A_486 : vector<16xi32>
        %rev3A_488 = arith.constant 15 : i32
        %rev3A_489 = vector.broadcast %rev3A_488 : i32 to vector<16xi32>
        %rev3A_490 = tpu.iota {dimensions = array<i32: 0>} : vector<16xi32>
        %rev3A_491 = arith.subi %rev3A_489, %rev3A_490 : vector<16xi32>
        %rev3A_492 = tpu.dynamic_gather %add3A_487[%rev3A_491] in [0] : vector<16xi32>, vector<16xi32> -> vector<16xi32>
        %add3A_493 = arith.constant 16 : i32
        %add3A_494 = arith.addi %mul3A_455, %add3A_493 : i32
        %sub3A_495 = arith.constant 1 : i32
        %sub3A_496 = arith.subi %add3A_494, %sub3A_495 : i32
        %sub3A_497 = vector.broadcast %sub3A_496 : i32 to vector<16xi32>
        %sub3A_498 = arith.subi %sub3A_497, %iota3A : vector<16xi32>
        %broadcast_in_dim3A_499 = arith.constant true
        %broadcast_in_dim3A_500 = vector.broadcast %broadcast_in_dim3A_499 : i1 to vector<16xi1>
        %unique3A_501, %unique3A_502 = tpu.scan_count mask(%broadcast_in_dim3A_500 : vector<16xi1>) value(%rev3A_492 : vector<16xi32>) : vector<16xi1>, vector<16xi32>
        %gather3A_503 = arith.constant 0 : i32
        %gather3A_504 = tpu.memref_slice %arg12[%gather3A_503] : memref<16xi32, #tpu.memory_space<vmem>> -> memref<16xi32, #tpu.memory_space<vmem>>
        %gather3A_505 = tpu.vector_load_idx %gather3A_504[%rev3A_492] : memref<16xi32, #tpu.memory_space<vmem>>[vector<16xi32>], vector<16xi32>,
        %add3A_506 = arith.addi %gather3A_505, %unique3A_502 : vector<16xi32>
        %sub3A_507 = arith.constant 1 : i32
        %sub3A_508 = vector.broadcast %sub3A_507 : i32 to vector<16xi32>
        %sub3A_509 = arith.subi %add3A_506, %sub3A_508 : vector<16xi32>
        %scatter3A_510 = arith.constant 0 : i32
        %scatter3A_511 = arith.constant 0 : i32
        %scatter3A_512 = tpu.memref_slice %arg10[%scatter3A_510, %scatter3A_511] : memref<8x2048xi32, #tpu.memory_space<vmem>> -> memref<8x2048xi32, #tpu.memory_space<vmem>>
        tpu.vector_store_idx %scatter3A_512[%rev3A_492, %sub3A_509], %sub3A_498 : memref<8x2048xi32, #tpu.memory_space<vmem>>[vector<16xi32>, vector<16xi32>], vector<16xi32>,
        %scatter3A_513 = arith.constant 0 : i32
        %scatter3A_514 = tpu.memref_slice %arg12[%scatter3A_513] : memref<16xi32, #tpu.memory_space<vmem>> -> memref<16xi32, #tpu.memory_space<vmem>>
        tpu.vector_store_idx %scatter3A_514[%rev3A_492], %add3A_506 masked %unique3A_501 : memref<16xi32, #tpu.memory_space<vmem>>[vector<16xi32>], vector<16xi32>, vector<16xi1>
        %mul3A_515 = arith.constant 4 : i32
        %mul3A_516 = arith.muli %mul3A_515, %scan3A_316 : i32
        %add3A_517 = arith.constant 3 : i32
        %add3A_518 = arith.addi %mul3A_516, %add3A_517 : i32
        %sub3A_519 = arith.constant 127 : i32
        %sub3A_520 = arith.subi %sub3A_519, %add3A_518 : i32
        %mul3A_521 = arith.constant 16 : i32
        %mul3A_522 = arith.muli %sub3A_520, %mul3A_521 : i32
        %get3A_523 = arith.index_cast %mul3A_522 : i32 to index
        %get3A_524 = tpu.vector_load %arg4[%get3A_523] {strides = array<i32>} : memref<2048xf32, #tpu.memory_space<vmem>>, vector<16xf32>,
        %get3A_525 = arith.index_cast %mul3A_522 : i32 to index
        %get3A_526 = tpu.vector_load %arg5[%get3A_525] {strides = array<i32>} : memref<2048xf32, #tpu.memory_space<vmem>>, vector<16xf32>,
        %get3A_527 = arith.index_cast %mul3A_522 : i32 to index
        %get3A_528 = tpu.vector_load %arg6[%get3A_527] {strides = array<i32>} : memref<2048xf32, #tpu.memory_space<vmem>>, vector<16xf32>,
        %gt3A_529 = arith.constant 0.000000e+00 : f32
        %gt3A_530 = vector.broadcast %gt3A_529 : f32 to vector<16xf32>
        %gt3A_531 = arith.cmpf ogt, %get3A_524, %gt3A_530 : vector<16xf32>
        %jit3A_532 = arith.constant 4 : i32
        %jit3A_533 = arith.constant 0 : i32
        %broadcast_in_dim3A_534 = vector.broadcast %jit3A_532 : i32 to vector<16xi32>
        %broadcast_in_dim3A_535 = vector.broadcast %jit3A_533 : i32 to vector<16xi32>
        %select_n3A_536 = arith.select %gt3A_531, %broadcast_in_dim3A_534, %broadcast_in_dim3A_535 : vector<16xi1>, vector<16xi32>
        %gt3A_537 = arith.constant 0.000000e+00 : f32
        %gt3A_538 = vector.broadcast %gt3A_537 : f32 to vector<16xf32>
        %gt3A_539 = arith.cmpf ogt, %get3A_526, %gt3A_538 : vector<16xf32>
        %jit3A_540 = arith.constant 2 : i32
        %jit3A_541 = arith.constant 0 : i32
        %broadcast_in_dim3A_542 = vector.broadcast %jit3A_540 : i32 to vector<16xi32>
        %broadcast_in_dim3A_543 = vector.broadcast %jit3A_541 : i32 to vector<16xi32>
        %select_n3A_544 = arith.select %gt3A_539, %broadcast_in_dim3A_542, %broadcast_in_dim3A_543 : vector<16xi1>, vector<16xi32>
        %add3A_545 = arith.addi %select_n3A_536, %select_n3A_544 : vector<16xi32>
        %gt3A_546 = arith.constant 0.000000e+00 : f32
        %gt3A_547 = vector.broadcast %gt3A_546 : f32 to vector<16xf32>
        %gt3A_548 = arith.cmpf ogt, %get3A_528, %gt3A_547 : vector<16xf32>
        %jit3A_549 = arith.constant 1 : i32
        %jit3A_550 = arith.constant 0 : i32
        %broadcast_in_dim3A_551 = vector.broadcast %jit3A_549 : i32 to vector<16xi32>
        %broadcast_in_dim3A_552 = vector.broadcast %jit3A_550 : i32 to vector<16xi32>
        %select_n3A_553 = arith.select %gt3A_548, %broadcast_in_dim3A_551, %broadcast_in_dim3A_552 : vector<16xi1>, vector<16xi32>
        %add3A_554 = arith.addi %add3A_545, %select_n3A_553 : vector<16xi32>
        %rev3A_555 = arith.constant 15 : i32
        %rev3A_556 = vector.broadcast %rev3A_555 : i32 to vector<16xi32>
        %rev3A_557 = tpu.iota {dimensions = array<i32: 0>} : vector<16xi32>
        %rev3A_558 = arith.subi %rev3A_556, %rev3A_557 : vector<16xi32>
        %rev3A_559 = tpu.dynamic_gather %add3A_554[%rev3A_558] in [0] : vector<16xi32>, vector<16xi32> -> vector<16xi32>
        %add3A_560 = arith.constant 16 : i32
        %add3A_561 = arith.addi %mul3A_522, %add3A_560 : i32
        %sub3A_562 = arith.constant 1 : i32
        %sub3A_563 = arith.subi %add3A_561, %sub3A_562 : i32
        %sub3A_564 = vector.broadcast %sub3A_563 : i32 to vector<16xi32>
        %sub3A_565 = arith.subi %sub3A_564, %iota3A : vector<16xi32>
        %broadcast_in_dim3A_566 = arith.constant true
        %broadcast_in_dim3A_567 = vector.broadcast %broadcast_in_dim3A_566 : i1 to vector<16xi1>
        %unique3A_568, %unique3A_569 = tpu.scan_count mask(%broadcast_in_dim3A_567 : vector<16xi1>) value(%rev3A_559 : vector<16xi32>) : vector<16xi1>, vector<16xi32>
        %gather3A_570 = arith.constant 0 : i32
        %gather3A_571 = tpu.memref_slice %arg12[%gather3A_570] : memref<16xi32, #tpu.memory_space<vmem>> -> memref<16xi32, #tpu.memory_space<vmem>>
        %gather3A_572 = tpu.vector_load_idx %gather3A_571[%rev3A_559] : memref<16xi32, #tpu.memory_space<vmem>>[vector<16xi32>], vector<16xi32>,
        %add3A_573 = arith.addi %gather3A_572, %unique3A_569 : vector<16xi32>
        %sub3A_574 = arith.constant 1 : i32
        %sub3A_575 = vector.broadcast %sub3A_574 : i32 to vector<16xi32>
        %sub3A_576 = arith.subi %add3A_573, %sub3A_575 : vector<16xi32>
        %scatter3A_577 = arith.constant 0 : i32
        %scatter3A_578 = arith.constant 0 : i32
        %scatter3A_579 = tpu.memref_slice %arg10[%scatter3A_577, %scatter3A_578] : memref<8x2048xi32, #tpu.memory_space<vmem>> -> memref<8x2048xi32, #tpu.memory_space<vmem>>
        tpu.vector_store_idx %scatter3A_579[%rev3A_559, %sub3A_576], %sub3A_565 : memref<8x2048xi32, #tpu.memory_space<vmem>>[vector<16xi32>, vector<16xi32>], vector<16xi32>,
        %scatter3A_580 = arith.constant 0 : i32
        %scatter3A_581 = tpu.memref_slice %arg12[%scatter3A_580] : memref<16xi32, #tpu.memory_space<vmem>> -> memref<16xi32, #tpu.memory_space<vmem>>
        tpu.vector_store_idx %scatter3A_581[%rev3A_559], %add3A_573 masked %unique3A_568 : memref<16xi32, #tpu.memory_space<vmem>>[vector<16xi32>], vector<16xi32>, vector<16xi1>
        %scan3A_582 = arith.constant 0 : i32
        scf.yield %scan3A_582 : i32
      }
      %scan3A_137 = arith.constant 32 : i32
      %get3A = arith.constant 0 : index
      %get3A_138 = tpu.vector_load %arg12[%get3A] {strides = array<i32>} : memref<16xi32, #tpu.memory_space<vmem>>, vector<16xi32>,
      %get3A_139 = arith.constant 0 : index
      %get3A_140 = tpu.vector_load %arg13[%get3A_139] {strides = array<i32>} : memref<16xi32, #tpu.memory_space<vmem>>, vector<16xi32>,
      %sub3A_141 = arith.subi %get3A_140, %get3A_138 : vector<16xi32>
      %max3A = arith.constant 0 : i32
      %max3A_142 = vector.broadcast %max3A : i32 to vector<16xi32>
      %max3A_143 = arith.maxsi %sub3A_141, %max3A_142 : vector<16xi32>
      %reduce_max3A = arith.constant true
      %reduce_max3A_144 = vector.broadcast %reduce_max3A : i1 to vector<16xi1>
      %reduce_max3A_145 = arith.constant -2147483648 : i32
      %reduce_max3A_146 = vector.broadcast %reduce_max3A_145 : i32 to vector<16xi32>
      %reduce_max3A_147 = arith.xori %max3A_143, %reduce_max3A_146 : vector<16xi32>
      %reduce_max3A_148 = tpu.scan <max>, %reduce_max3A_147 masked %reduce_max3A_144 : vector<16xi32>, vector<16xi1> -> vector<16xi32>
      %reduce_max3A_149 = arith.xori %reduce_max3A_148, %reduce_max3A_146 : vector<16xi32>
      %reduce_max3A_150 = vector.extract %reduce_max3A_149[15] : i32 from vector<16xi32>
      %and3A = arith.constant 7 : i32
      %and3A_151 = vector.broadcast %and3A : i32 to vector<16xi32>
      %and3A_152 = arith.andi %iota3A, %and3A_151 : vector<16xi32>
      %lt3A = arith.constant 0 : i32
      %lt3A_153 = vector.broadcast %lt3A : i32 to vector<16xi32>
      %lt3A_154 = arith.cmpi slt, %and3A_152, %lt3A_153 : vector<16xi32>
      %add3A_155 = arith.constant 16 : i32
      %add3A_156 = vector.broadcast %add3A_155 : i32 to vector<16xi32>
      %add3A_157 = arith.addi %and3A_152, %add3A_156 : vector<16xi32>
      %select_n3A = arith.select %lt3A_154, %add3A_157, %and3A_152 : vector<16xi1>, vector<16xi32>
      %broadcast_in_dim3A_158 = vector.shape_cast %select_n3A : vector<16xi32> to vector<16x1xi32>
      %gather3A = vector.shape_cast %broadcast_in_dim3A_158 : vector<16x1xi32> to vector<16xi32>
      %gather3A_159 = tpu.dynamic_gather %get3A_138[%gather3A] in [0] : vector<16xi32>, vector<16xi32> -> vector<16xi32>
      %lt3A_160 = arith.constant 0 : i32
      %lt3A_161 = vector.broadcast %lt3A_160 : i32 to vector<16xi32>
      %lt3A_162 = arith.cmpi slt, %and3A_152, %lt3A_161 : vector<16xi32>
      %add3A_163 = arith.constant 16 : i32
      %add3A_164 = vector.broadcast %add3A_163 : i32 to vector<16xi32>
      %add3A_165 = arith.addi %and3A_152, %add3A_164 : vector<16xi32>
      %select_n3A_166 = arith.select %lt3A_162, %add3A_165, %and3A_152 : vector<16xi1>, vector<16xi32>
      %broadcast_in_dim3A_167 = vector.shape_cast %select_n3A_166 : vector<16xi32> to vector<16x1xi32>
      %gather3A_168 = vector.shape_cast %broadcast_in_dim3A_167 : vector<16x1xi32> to vector<16xi32>
      %gather3A_169 = tpu.dynamic_gather %get3A_140[%gather3A_168] in [0] : vector<16xi32>, vector<16xi32> -> vector<16xi32>
      %shift_right_arithmetic3A = arith.constant 3 : i32
      %shift_right_arithmetic3A_170 = vector.broadcast %shift_right_arithmetic3A : i32 to vector<16xi32>
      %shift_right_arithmetic3A_171 = arith.shrsi %iota3A, %shift_right_arithmetic3A_170 : vector<16xi32>
      %add3A_172 = arith.constant 1 : i32
      %add3A_173 = arith.addi %reduce_max3A_150, %add3A_172 : i32
      %shift_right_arithmetic3A_174 = arith.constant 1 : i32
      %shift_right_arithmetic3A_175 = arith.shrsi %add3A_173, %shift_right_arithmetic3A_174 : i32
      %while3A = arith.constant 0 : i32
      %while3A_176 = arith.constant 0 : i32
      %while3A_177 = arith.subi %shift_right_arithmetic3A_175, %while3A : i32
      %while3A_178 = arith.addi %while3A, %while3A_177 : i32
      %while3A_179 = arith.constant 1 : i32
      %while3A_180 = arith.divsi %while3A_177, %while3A_179 : i32
      %while3A_181 = arith.muli %while3A_180, %while3A_179 : i32
      %while3A_182 = arith.addi %while3A, %while3A_181 : i32
      %while3A_183 = arith.constant 1 : i32
      %while3A_184 = scf.for %while3A_316 = %while3A to %while3A_182 step %while3A_183 iter_args(%while3A_317 = %while3A_176) -> (i32)  : i32 {
        %mul3A_318 = arith.constant 2 : i32
        %mul3A_319 = arith.muli %mul3A_318, %while3A_316 : i32
        %add3A_320 = vector.broadcast %mul3A_319 : i32 to vector<16xi32>
        %add3A_321 = arith.addi %gather3A_159, %add3A_320 : vector<16xi32>
        %add3A_322 = arith.addi %add3A_321, %shift_right_arithmetic3A_171 : vector<16xi32>
        %lt3A_323 = arith.cmpi slt, %add3A_322, %gather3A_169 : vector<16xi32>
        %min3A = arith.constant 2047 : i32
        %min3A_324 = vector.broadcast %min3A : i32 to vector<16xi32>
        %min3A_325 = arith.minsi %add3A_322, %min3A_324 : vector<16xi32>
        %scatter3A = arith.constant 0 : i32
        %scatter3A_326 = arith.constant 0 : i32
        %scatter3A_327 = tpu.memref_slice %arg10[%scatter3A, %scatter3A_326] : memref<8x2048xi32, #tpu.memory_space<vmem>> -> memref<8x2048xi32, #tpu.memory_space<vmem>>
        tpu.vector_store_idx %scatter3A_327[%and3A_152, %min3A_325], %broadcast_in_dim3A_3 masked %lt3A_323 : memref<8x2048xi32, #tpu.memory_space<vmem>>[vector<16xi32>, vector<16xi32>], vector<16xi32>, vector<16xi1>
        %while3A_328 = arith.constant 0 : i32
        scf.yield %while3A_328 : i32
      }
      %while3A_185 = arith.constant 1 : i32
      %while3A_186 = scf.for %while3A_316 = %while3A_182 to %while3A_178 step %while3A_185 iter_args(%while3A_317 = %while3A_184) -> (i32)  : i32 {
        %mul3A_318 = arith.constant 2 : i32
        %mul3A_319 = arith.muli %mul3A_318, %while3A_316 : i32
        %add3A_320 = vector.broadcast %mul3A_319 : i32 to vector<16xi32>
        %add3A_321 = arith.addi %gather3A_159, %add3A_320 : vector<16xi32>
        %add3A_322 = arith.addi %add3A_321, %shift_right_arithmetic3A_171 : vector<16xi32>
        %lt3A_323 = arith.cmpi slt, %add3A_322, %gather3A_169 : vector<16xi32>
        %min3A = arith.constant 2047 : i32
        %min3A_324 = vector.broadcast %min3A : i32 to vector<16xi32>
        %min3A_325 = arith.minsi %add3A_322, %min3A_324 : vector<16xi32>
        %scatter3A = arith.constant 0 : i32
        %scatter3A_326 = arith.constant 0 : i32
        %scatter3A_327 = tpu.memref_slice %arg10[%scatter3A, %scatter3A_326] : memref<8x2048xi32, #tpu.memory_space<vmem>> -> memref<8x2048xi32, #tpu.memory_space<vmem>>
        tpu.vector_store_idx %scatter3A_327[%and3A_152, %min3A_325], %broadcast_in_dim3A_3 masked %lt3A_323 : memref<8x2048xi32, #tpu.memory_space<vmem>>[vector<16xi32>, vector<16xi32>], vector<16xi32>, vector<16xi1>
        %while3A_328 = arith.constant 0 : i32
        scf.yield %while3A_328 : i32
      }
      %swap3A_187 = arith.constant 0 : index
      %swap3A_188 = tpu.vector_load %arg13[%swap3A_187] {strides = array<i32>} : memref<16xi32, #tpu.memory_space<vmem>>, vector<16xi32>,
      tpu.vector_store %arg13[%swap3A_187], %get3A_138 {strides = array<i32>} : memref<16xi32, #tpu.memory_space<vmem>>, vector<16xi32>,
      %dma_start3A_189 = arith.constant 0 : i32
      %dma_start3A_190 = arith.constant 0 : i32
      %dma_start3A_191 = tpu.memref_slice %arg3[%add3A_105, %dma_start3A_189, %dma_start3A_190] : memref<1024x8x2048xi32, #tpu.memory_space<hbm>> -> memref<1x8x2048xi32, #tpu.memory_space<hbm>>
      %dma_start3A_192 = tpu.memref_squeeze %dma_start3A_191 : memref<1x8x2048xi32, #tpu.memory_space<hbm>> -> memref<8x2048xi32, #tpu.memory_space<hbm>>
      %dma_start3A_193 = arith.constant 0 : i32
      %dma_start3A_194 = arith.constant 0 : i32
      %dma_start3A_195 = tpu.memref_slice %arg3[%add3A_105, %dma_start3A_193, %dma_start3A_194] : memref<1024x8x2048xi32, #tpu.memory_space<hbm>> -> memref<1x8x2048xi32, #tpu.memory_space<hbm>>
      %dma_start3A_196 = tpu.memref_squeeze %dma_start3A_195 : memref<1x8x2048xi32, #tpu.memory_space<hbm>> -> memref<8x2048xi32, #tpu.memory_space<hbm>>
      tpu.enqueue_dma source(%arg10 : memref<8x2048xi32, #tpu.memory_space<vmem>>) target(%dma_start3A_196 : memref<8x2048xi32, #tpu.memory_space<hbm>>) target_semaphore(%arg17 : memref<!tpu.dma_semaphore, #tpu.memory_space<semaphore_mem>>)
      %lt3A_197 = arith.constant 30 : i32
      %lt3A_198 = arith.cmpi slt, %add3A_104, %lt3A_197 : i32
      %convert_element_type3A_199 = arith.extui %lt3A_198 : i1 to i32
      %cond3A_200 = arith.constant 0 : i32
      %cond3A_201 = arith.cmpi ne, %convert_element_type3A_199, %cond3A_200 : i32
      scf.if %cond3A_201 {
        %add3A_316 = arith.constant 2 : i32
        %add3A_317 = arith.addi %add3A_105, %add3A_316 : i32
        %dma_start3A_318 = arith.constant 0 : i32
        %dma_start3A_319 = arith.constant 0 : i32
        %dma_start3A_320 = tpu.memref_slice %arg2[%dma_start3A_318, %add3A_317, %dma_start3A_319] : memref<3x1024x2048xf32, #tpu.memory_space<hbm>> -> memref<1x1x2048xf32, #tpu.memory_space<hbm>>
        %dma_start3A_321 = tpu.memref_squeeze %dma_start3A_320 : memref<1x1x2048xf32, #tpu.memory_space<hbm>> -> memref<2048xf32, #tpu.memory_space<hbm>>
        %dma_start3A_322 = arith.constant 0 : i32
        %dma_start3A_323 = tpu.memref_slice %arg2[%dma_start3A_318, %add3A_317, %dma_start3A_322] : memref<3x1024x2048xf32, #tpu.memory_space<hbm>> -> memref<1x1x2048xf32, #tpu.memory_space<hbm>>
        %dma_start3A_324 = tpu.memref_squeeze %dma_start3A_323 : memref<1x1x2048xf32, #tpu.memory_space<hbm>> -> memref<2048xf32, #tpu.memory_space<hbm>>
        tpu.enqueue_dma source(%dma_start3A_324 : memref<2048xf32, #tpu.memory_space<hbm>>) target(%arg4 : memref<2048xf32, #tpu.memory_space<vmem>>) target_semaphore(%arg15 : memref<!tpu.dma_semaphore, #tpu.memory_space<semaphore_mem>>)
        %add3A_325 = arith.constant 2 : i32
        %add3A_326 = arith.addi %add3A_105, %add3A_325 : i32
        %dma_start3A_327 = arith.constant 1 : i32
        %dma_start3A_328 = arith.constant 0 : i32
        %dma_start3A_329 = tpu.memref_slice %arg2[%dma_start3A_327, %add3A_326, %dma_start3A_328] : memref<3x1024x2048xf32, #tpu.memory_space<hbm>> -> memref<1x1x2048xf32, #tpu.memory_space<hbm>>
        %dma_start3A_330 = tpu.memref_squeeze %dma_start3A_329 : memref<1x1x2048xf32, #tpu.memory_space<hbm>> -> memref<2048xf32, #tpu.memory_space<hbm>>
        %dma_start3A_331 = arith.constant 0 : i32
        %dma_start3A_332 = tpu.memref_slice %arg2[%dma_start3A_327, %add3A_326, %dma_start3A_331] : memref<3x1024x2048xf32, #tpu.memory_space<hbm>> -> memref<1x1x2048xf32, #tpu.memory_space<hbm>>
        %dma_start3A_333 = tpu.memref_squeeze %dma_start3A_332 : memref<1x1x2048xf32, #tpu.memory_space<hbm>> -> memref<2048xf32, #tpu.memory_space<hbm>>
        tpu.enqueue_dma source(%dma_start3A_333 : memref<2048xf32, #tpu.memory_space<hbm>>) target(%arg5 : memref<2048xf32, #tpu.memory_space<vmem>>) target_semaphore(%arg15 : memref<!tpu.dma_semaphore, #tpu.memory_space<semaphore_mem>>)
        %add3A_334 = arith.constant 2 : i32
        %add3A_335 = arith.addi %add3A_105, %add3A_334 : i32
        %dma_start3A_336 = arith.constant 2 : i32
        %dma_start3A_337 = arith.constant 0 : i32
        %dma_start3A_338 = tpu.memref_slice %arg2[%dma_start3A_336, %add3A_335, %dma_start3A_337] : memref<3x1024x2048xf32, #tpu.memory_space<hbm>> -> memref<1x1x2048xf32, #tpu.memory_space<hbm>>
        %dma_start3A_339 = tpu.memref_squeeze %dma_start3A_338 : memref<1x1x2048xf32, #tpu.memory_space<hbm>> -> memref<2048xf32, #tpu.memory_space<hbm>>
        %dma_start3A_340 = arith.constant 0 : i32
        %dma_start3A_341 = tpu.memref_slice %arg2[%dma_start3A_336, %add3A_335, %dma_start3A_340] : memref<3x1024x2048xf32, #tpu.memory_space<hbm>> -> memref<1x1x2048xf32, #tpu.memory_space<hbm>>
        %dma_start3A_342 = tpu.memref_squeeze %dma_start3A_341 : memref<1x1x2048xf32, #tpu.memory_space<hbm>> -> memref<2048xf32, #tpu.memory_space<hbm>>
        tpu.enqueue_dma source(%dma_start3A_342 : memref<2048xf32, #tpu.memory_space<hbm>>) target(%arg6 : memref<2048xf32, #tpu.memory_space<vmem>>) target_semaphore(%arg15 : memref<!tpu.dma_semaphore, #tpu.memory_space<semaphore_mem>>)
      } else {
      }
      %mul3A_202 = arith.constant 2 : i32
      %mul3A_203 = arith.muli %mul3A_202, %scan3A_99 : i32
      %add3A_204 = arith.constant 1 : i32
      %add3A_205 = arith.addi %mul3A_203, %add3A_204 : i32
      %add3A_206 = arith.addi %mul3A_2, %add3A_205 : i32
      %gt3A_207 = arith.constant 0 : i32
      %gt3A_208 = arith.cmpi sgt, %scan3A_99, %gt3A_207 : i32
      %convert_element_type3A_209 = arith.extui %gt3A_208 : i1 to i32
      %cond3A_210 = arith.constant 0 : i32
      %cond3A_211 = arith.cmpi ne, %convert_element_type3A_209, %cond3A_210 : i32
      scf.if %cond3A_211 {
        %sub3A_316 = arith.constant 2 : i32
        %sub3A_317 = arith.subi %add3A_206, %sub3A_316 : i32
        %dma_wait3A_318 = arith.constant 0 : i32
        %dma_wait3A_319 = arith.constant 0 : i32
        %dma_wait3A_320 = tpu.memref_slice %arg3[%sub3A_317, %dma_wait3A_318, %dma_wait3A_319] : memref<1024x8x2048xi32, #tpu.memory_space<hbm>> -> memref<1x8x2048xi32, #tpu.memory_space<hbm>>
        %dma_wait3A_321 = tpu.memref_squeeze %dma_wait3A_320 : memref<1x8x2048xi32, #tpu.memory_space<hbm>> -> memref<8x2048xi32, #tpu.memory_space<hbm>>
        %dma_wait3A_322 = arith.constant 0 : i32
        %dma_wait3A_323 = arith.constant 0 : i32
        %dma_wait3A_324 = tpu.memref_slice %arg3[%sub3A_317, %dma_wait3A_322, %dma_wait3A_323] : memref<1024x8x2048xi32, #tpu.memory_space<hbm>> -> memref<1x8x2048xi32, #tpu.memory_space<hbm>>
        %dma_wait3A_325 = tpu.memref_squeeze %dma_wait3A_324 : memref<1x8x2048xi32, #tpu.memory_space<hbm>> -> memref<8x2048xi32, #tpu.memory_space<hbm>>
        tpu.wait_dma2 semaphore(%arg18 : memref<!tpu.dma_semaphore, #tpu.memory_space<semaphore_mem>>) src(%arg11 : memref<8x2048xi32, #tpu.memory_space<vmem>>) dst(%dma_wait3A_325 : memref<8x2048xi32, #tpu.memory_space<hbm>>)
      } else {
      }
      %swap3A_212 = arith.constant 0 : index
      %swap3A_213 = tpu.vector_load %arg12[%swap3A_212] {strides = array<i32>} : memref<16xi32, #tpu.memory_space<vmem>>, vector<16xi32>,
      tpu.vector_store %arg12[%swap3A_212], %broadcast_in_dim3A_3 {strides = array<i32>} : memref<16xi32, #tpu.memory_space<vmem>>, vector<16xi32>,
      %dma_wait3A_214 = arith.constant 0 : i32
      %dma_wait3A_215 = arith.constant 0 : i32
      %dma_wait3A_216 = tpu.memref_slice %arg2[%dma_wait3A_214, %add3A_206, %dma_wait3A_215] : memref<3x1024x2048xf32, #tpu.memory_space<hbm>> -> memref<1x1x2048xf32, #tpu.memory_space<hbm>>
      %dma_wait3A_217 = tpu.memref_squeeze %dma_wait3A_216 : memref<1x1x2048xf32, #tpu.memory_space<hbm>> -> memref<2048xf32, #tpu.memory_space<hbm>>
      %dma_wait3A_218 = arith.constant 0 : i32
      %dma_wait3A_219 = tpu.memref_slice %arg2[%dma_wait3A_214, %add3A_206, %dma_wait3A_218] : memref<3x1024x2048xf32, #tpu.memory_space<hbm>> -> memref<1x1x2048xf32, #tpu.memory_space<hbm>>
      %dma_wait3A_220 = tpu.memref_squeeze %dma_wait3A_219 : memref<1x1x2048xf32, #tpu.memory_space<hbm>> -> memref<2048xf32, #tpu.memory_space<hbm>>
      tpu.wait_dma2 semaphore(%arg16 : memref<!tpu.dma_semaphore, #tpu.memory_space<semaphore_mem>>) src(%dma_wait3A_220 : memref<2048xf32, #tpu.memory_space<hbm>>) dst(%arg7 : memref<2048xf32, #tpu.memory_space<vmem>>)
      %dma_wait3A_221 = arith.constant 1 : i32
      %dma_wait3A_222 = arith.constant 0 : i32
      %dma_wait3A_223 = tpu.memref_slice %arg2[%dma_wait3A_221, %add3A_206, %dma_wait3A_222] : memref<3x1024x2048xf32, #tpu.memory_space<hbm>> -> memref<1x1x2048xf32, #tpu.memory_space<hbm>>
      %dma_wait3A_224 = tpu.memref_squeeze %dma_wait3A_223 : memref<1x1x2048xf32, #tpu.memory_space<hbm>> -> memref<2048xf32, #tpu.memory_space<hbm>>
      %dma_wait3A_225 = arith.constant 0 : i32
      %dma_wait3A_226 = tpu.memref_slice %arg2[%dma_wait3A_221, %add3A_206, %dma_wait3A_225] : memref<3x1024x2048xf32, #tpu.memory_space<hbm>> -> memref<1x1x2048xf32, #tpu.memory_space<hbm>>
      %dma_wait3A_227 = tpu.memref_squeeze %dma_wait3A_226 : memref<1x1x2048xf32, #tpu.memory_space<hbm>> -> memref<2048xf32, #tpu.memory_space<hbm>>
      tpu.wait_dma2 semaphore(%arg16 : memref<!tpu.dma_semaphore, #tpu.memory_space<semaphore_mem>>) src(%dma_wait3A_227 : memref<2048xf32, #tpu.memory_space<hbm>>) dst(%arg8 : memref<2048xf32, #tpu.memory_space<vmem>>)
      %dma_wait3A_228 = arith.constant 2 : i32
      %dma_wait3A_229 = arith.constant 0 : i32
      %dma_wait3A_230 = tpu.memref_slice %arg2[%dma_wait3A_228, %add3A_206, %dma_wait3A_229] : memref<3x1024x2048xf32, #tpu.memory_space<hbm>> -> memref<1x1x2048xf32, #tpu.memory_space<hbm>>
      %dma_wait3A_231 = tpu.memref_squeeze %dma_wait3A_230 : memref<1x1x2048xf32, #tpu.memory_space<hbm>> -> memref<2048xf32, #tpu.memory_space<hbm>>
      %dma_wait3A_232 = arith.constant 0 : i32
      %dma_wait3A_233 = tpu.memref_slice %arg2[%dma_wait3A_228, %add3A_206, %dma_wait3A_232] : memref<3x1024x2048xf32, #tpu.memory_space<hbm>> -> memref<1x1x2048xf32, #tpu.memory_space<hbm>>
      %dma_wait3A_234 = tpu.memref_squeeze %dma_wait3A_233 : memref<1x1x2048xf32, #tpu.memory_space<hbm>> -> memref<2048xf32, #tpu.memory_space<hbm>>
      tpu.wait_dma2 semaphore(%arg16 : memref<!tpu.dma_semaphore, #tpu.memory_space<semaphore_mem>>) src(%dma_wait3A_234 : memref<2048xf32, #tpu.memory_space<hbm>>) dst(%arg9 : memref<2048xf32, #tpu.memory_space<vmem>>)
      %scan3A_235 = arith.constant 0 : i32
      %scan3A_236 = arith.constant 0 : i32
      %scan3A_237 = arith.constant 32 : i32
      %scan3A_238 = arith.addi %scan3A_236, %scan3A_237 : i32
      %scan3A_239 = arith.constant 1 : i32
      %scan3A_240 = scf.for %scan3A_316 = %scan3A_236 to %scan3A_238 step %scan3A_239 iter_args(%scan3A_317 = %scan3A_235) -> (i32)  : i32 {
        %mul3A_318 = arith.constant 4 : i32
        %mul3A_319 = arith.muli %mul3A_318, %scan3A_316 : i32
        %add3A_320 = arith.constant 0 : i32
        %add3A_321 = arith.addi %mul3A_319, %add3A_320 : i32
        %sub3A_322 = arith.constant 127 : i32
        %sub3A_323 = arith.subi %sub3A_322, %add3A_321 : i32
        %mul3A_324 = arith.constant 16 : i32
        %mul3A_325 = arith.muli %sub3A_323, %mul3A_324 : i32
        %get3A_326 = arith.index_cast %mul3A_325 : i32 to index
        %get3A_327 = tpu.vector_load %arg7[%get3A_326] {strides = array<i32>} : memref<2048xf32, #tpu.memory_space<vmem>>, vector<16xf32>,
        %get3A_328 = arith.index_cast %mul3A_325 : i32 to index
        %get3A_329 = tpu.vector_load %arg8[%get3A_328] {strides = array<i32>} : memref<2048xf32, #tpu.memory_space<vmem>>, vector<16xf32>,
        %get3A_330 = arith.index_cast %mul3A_325 : i32 to index
        %get3A_331 = tpu.vector_load %arg9[%get3A_330] {strides = array<i32>} : memref<2048xf32, #tpu.memory_space<vmem>>, vector<16xf32>,
        %gt3A_332 = arith.constant 0.000000e+00 : f32
        %gt3A_333 = vector.broadcast %gt3A_332 : f32 to vector<16xf32>
        %gt3A_334 = arith.cmpf ogt, %get3A_327, %gt3A_333 : vector<16xf32>
        %jit3A = arith.constant 4 : i32
        %jit3A_335 = arith.constant 0 : i32
        %broadcast_in_dim3A_336 = vector.broadcast %jit3A : i32 to vector<16xi32>
        %broadcast_in_dim3A_337 = vector.broadcast %jit3A_335 : i32 to vector<16xi32>
        %select_n3A_338 = arith.select %gt3A_334, %broadcast_in_dim3A_336, %broadcast_in_dim3A_337 : vector<16xi1>, vector<16xi32>
        %gt3A_339 = arith.constant 0.000000e+00 : f32
        %gt3A_340 = vector.broadcast %gt3A_339 : f32 to vector<16xf32>
        %gt3A_341 = arith.cmpf ogt, %get3A_329, %gt3A_340 : vector<16xf32>
        %jit3A_342 = arith.constant 2 : i32
        %jit3A_343 = arith.constant 0 : i32
        %broadcast_in_dim3A_344 = vector.broadcast %jit3A_342 : i32 to vector<16xi32>
        %broadcast_in_dim3A_345 = vector.broadcast %jit3A_343 : i32 to vector<16xi32>
        %select_n3A_346 = arith.select %gt3A_341, %broadcast_in_dim3A_344, %broadcast_in_dim3A_345 : vector<16xi1>, vector<16xi32>
        %add3A_347 = arith.addi %select_n3A_338, %select_n3A_346 : vector<16xi32>
        %gt3A_348 = arith.constant 0.000000e+00 : f32
        %gt3A_349 = vector.broadcast %gt3A_348 : f32 to vector<16xf32>
        %gt3A_350 = arith.cmpf ogt, %get3A_331, %gt3A_349 : vector<16xf32>
        %jit3A_351 = arith.constant 1 : i32
        %jit3A_352 = arith.constant 0 : i32
        %broadcast_in_dim3A_353 = vector.broadcast %jit3A_351 : i32 to vector<16xi32>
        %broadcast_in_dim3A_354 = vector.broadcast %jit3A_352 : i32 to vector<16xi32>
        %select_n3A_355 = arith.select %gt3A_350, %broadcast_in_dim3A_353, %broadcast_in_dim3A_354 : vector<16xi1>, vector<16xi32>
        %add3A_356 = arith.addi %add3A_347, %select_n3A_355 : vector<16xi32>
        %rev3A = arith.constant 15 : i32
        %rev3A_357 = vector.broadcast %rev3A : i32 to vector<16xi32>
        %rev3A_358 = tpu.iota {dimensions = array<i32: 0>} : vector<16xi32>
        %rev3A_359 = arith.subi %rev3A_357, %rev3A_358 : vector<16xi32>
        %rev3A_360 = tpu.dynamic_gather %add3A_356[%rev3A_359] in [0] : vector<16xi32>, vector<16xi32> -> vector<16xi32>
        %add3A_361 = arith.constant 16 : i32
        %add3A_362 = arith.addi %mul3A_325, %add3A_361 : i32
        %sub3A_363 = arith.constant 1 : i32
        %sub3A_364 = arith.subi %add3A_362, %sub3A_363 : i32
        %sub3A_365 = vector.broadcast %sub3A_364 : i32 to vector<16xi32>
        %sub3A_366 = arith.subi %sub3A_365, %iota3A : vector<16xi32>
        %broadcast_in_dim3A_367 = arith.constant true
        %broadcast_in_dim3A_368 = vector.broadcast %broadcast_in_dim3A_367 : i1 to vector<16xi1>
        %unique3A, %unique3A_369 = tpu.scan_count mask(%broadcast_in_dim3A_368 : vector<16xi1>) value(%rev3A_360 : vector<16xi32>) : vector<16xi1>, vector<16xi32>
        %gather3A_370 = arith.constant 0 : i32
        %gather3A_371 = tpu.memref_slice %arg12[%gather3A_370] : memref<16xi32, #tpu.memory_space<vmem>> -> memref<16xi32, #tpu.memory_space<vmem>>
        %gather3A_372 = tpu.vector_load_idx %gather3A_371[%rev3A_360] : memref<16xi32, #tpu.memory_space<vmem>>[vector<16xi32>], vector<16xi32>,
        %add3A_373 = arith.addi %gather3A_372, %unique3A_369 : vector<16xi32>
        %sub3A_374 = arith.constant 1 : i32
        %sub3A_375 = vector.broadcast %sub3A_374 : i32 to vector<16xi32>
        %sub3A_376 = arith.subi %add3A_373, %sub3A_375 : vector<16xi32>
        %scatter3A = arith.constant 0 : i32
        %scatter3A_377 = arith.constant 0 : i32
        %scatter3A_378 = tpu.memref_slice %arg11[%scatter3A, %scatter3A_377] : memref<8x2048xi32, #tpu.memory_space<vmem>> -> memref<8x2048xi32, #tpu.memory_space<vmem>>
        tpu.vector_store_idx %scatter3A_378[%rev3A_360, %sub3A_376], %sub3A_366 : memref<8x2048xi32, #tpu.memory_space<vmem>>[vector<16xi32>, vector<16xi32>], vector<16xi32>,
        %scatter3A_379 = arith.constant 0 : i32
        %scatter3A_380 = tpu.memref_slice %arg12[%scatter3A_379] : memref<16xi32, #tpu.memory_space<vmem>> -> memref<16xi32, #tpu.memory_space<vmem>>
        tpu.vector_store_idx %scatter3A_380[%rev3A_360], %add3A_373 masked %unique3A : memref<16xi32, #tpu.memory_space<vmem>>[vector<16xi32>], vector<16xi32>, vector<16xi1>
        %mul3A_381 = arith.constant 4 : i32
        %mul3A_382 = arith.muli %mul3A_381, %scan3A_316 : i32
        %add3A_383 = arith.constant 1 : i32
        %add3A_384 = arith.addi %mul3A_382, %add3A_383 : i32
        %sub3A_385 = arith.constant 127 : i32
        %sub3A_386 = arith.subi %sub3A_385, %add3A_384 : i32
        %mul3A_387 = arith.constant 16 : i32
        %mul3A_388 = arith.muli %sub3A_386, %mul3A_387 : i32
        %get3A_389 = arith.index_cast %mul3A_388 : i32 to index
        %get3A_390 = tpu.vector_load %arg7[%get3A_389] {strides = array<i32>} : memref<2048xf32, #tpu.memory_space<vmem>>, vector<16xf32>,
        %get3A_391 = arith.index_cast %mul3A_388 : i32 to index
        %get3A_392 = tpu.vector_load %arg8[%get3A_391] {strides = array<i32>} : memref<2048xf32, #tpu.memory_space<vmem>>, vector<16xf32>,
        %get3A_393 = arith.index_cast %mul3A_388 : i32 to index
        %get3A_394 = tpu.vector_load %arg9[%get3A_393] {strides = array<i32>} : memref<2048xf32, #tpu.memory_space<vmem>>, vector<16xf32>,
        %gt3A_395 = arith.constant 0.000000e+00 : f32
        %gt3A_396 = vector.broadcast %gt3A_395 : f32 to vector<16xf32>
        %gt3A_397 = arith.cmpf ogt, %get3A_390, %gt3A_396 : vector<16xf32>
        %jit3A_398 = arith.constant 4 : i32
        %jit3A_399 = arith.constant 0 : i32
        %broadcast_in_dim3A_400 = vector.broadcast %jit3A_398 : i32 to vector<16xi32>
        %broadcast_in_dim3A_401 = vector.broadcast %jit3A_399 : i32 to vector<16xi32>
        %select_n3A_402 = arith.select %gt3A_397, %broadcast_in_dim3A_400, %broadcast_in_dim3A_401 : vector<16xi1>, vector<16xi32>
        %gt3A_403 = arith.constant 0.000000e+00 : f32
        %gt3A_404 = vector.broadcast %gt3A_403 : f32 to vector<16xf32>
        %gt3A_405 = arith.cmpf ogt, %get3A_392, %gt3A_404 : vector<16xf32>
        %jit3A_406 = arith.constant 2 : i32
        %jit3A_407 = arith.constant 0 : i32
        %broadcast_in_dim3A_408 = vector.broadcast %jit3A_406 : i32 to vector<16xi32>
        %broadcast_in_dim3A_409 = vector.broadcast %jit3A_407 : i32 to vector<16xi32>
        %select_n3A_410 = arith.select %gt3A_405, %broadcast_in_dim3A_408, %broadcast_in_dim3A_409 : vector<16xi1>, vector<16xi32>
        %add3A_411 = arith.addi %select_n3A_402, %select_n3A_410 : vector<16xi32>
        %gt3A_412 = arith.constant 0.000000e+00 : f32
        %gt3A_413 = vector.broadcast %gt3A_412 : f32 to vector<16xf32>
        %gt3A_414 = arith.cmpf ogt, %get3A_394, %gt3A_413 : vector<16xf32>
        %jit3A_415 = arith.constant 1 : i32
        %jit3A_416 = arith.constant 0 : i32
        %broadcast_in_dim3A_417 = vector.broadcast %jit3A_415 : i32 to vector<16xi32>
        %broadcast_in_dim3A_418 = vector.broadcast %jit3A_416 : i32 to vector<16xi32>
        %select_n3A_419 = arith.select %gt3A_414, %broadcast_in_dim3A_417, %broadcast_in_dim3A_418 : vector<16xi1>, vector<16xi32>
        %add3A_420 = arith.addi %add3A_411, %select_n3A_419 : vector<16xi32>
        %rev3A_421 = arith.constant 15 : i32
        %rev3A_422 = vector.broadcast %rev3A_421 : i32 to vector<16xi32>
        %rev3A_423 = tpu.iota {dimensions = array<i32: 0>} : vector<16xi32>
        %rev3A_424 = arith.subi %rev3A_422, %rev3A_423 : vector<16xi32>
        %rev3A_425 = tpu.dynamic_gather %add3A_420[%rev3A_424] in [0] : vector<16xi32>, vector<16xi32> -> vector<16xi32>
        %add3A_426 = arith.constant 16 : i32
        %add3A_427 = arith.addi %mul3A_388, %add3A_426 : i32
        %sub3A_428 = arith.constant 1 : i32
        %sub3A_429 = arith.subi %add3A_427, %sub3A_428 : i32
        %sub3A_430 = vector.broadcast %sub3A_429 : i32 to vector<16xi32>
        %sub3A_431 = arith.subi %sub3A_430, %iota3A : vector<16xi32>
        %broadcast_in_dim3A_432 = arith.constant true
        %broadcast_in_dim3A_433 = vector.broadcast %broadcast_in_dim3A_432 : i1 to vector<16xi1>
        %unique3A_434, %unique3A_435 = tpu.scan_count mask(%broadcast_in_dim3A_433 : vector<16xi1>) value(%rev3A_425 : vector<16xi32>) : vector<16xi1>, vector<16xi32>
        %gather3A_436 = arith.constant 0 : i32
        %gather3A_437 = tpu.memref_slice %arg12[%gather3A_436] : memref<16xi32, #tpu.memory_space<vmem>> -> memref<16xi32, #tpu.memory_space<vmem>>
        %gather3A_438 = tpu.vector_load_idx %gather3A_437[%rev3A_425] : memref<16xi32, #tpu.memory_space<vmem>>[vector<16xi32>], vector<16xi32>,
        %add3A_439 = arith.addi %gather3A_438, %unique3A_435 : vector<16xi32>
        %sub3A_440 = arith.constant 1 : i32
        %sub3A_441 = vector.broadcast %sub3A_440 : i32 to vector<16xi32>
        %sub3A_442 = arith.subi %add3A_439, %sub3A_441 : vector<16xi32>
        %scatter3A_443 = arith.constant 0 : i32
        %scatter3A_444 = arith.constant 0 : i32
        %scatter3A_445 = tpu.memref_slice %arg11[%scatter3A_443, %scatter3A_444] : memref<8x2048xi32, #tpu.memory_space<vmem>> -> memref<8x2048xi32, #tpu.memory_space<vmem>>
        tpu.vector_store_idx %scatter3A_445[%rev3A_425, %sub3A_442], %sub3A_431 : memref<8x2048xi32, #tpu.memory_space<vmem>>[vector<16xi32>, vector<16xi32>], vector<16xi32>,
        %scatter3A_446 = arith.constant 0 : i32
        %scatter3A_447 = tpu.memref_slice %arg12[%scatter3A_446] : memref<16xi32, #tpu.memory_space<vmem>> -> memref<16xi32, #tpu.memory_space<vmem>>
        tpu.vector_store_idx %scatter3A_447[%rev3A_425], %add3A_439 masked %unique3A_434 : memref<16xi32, #tpu.memory_space<vmem>>[vector<16xi32>], vector<16xi32>, vector<16xi1>
        %mul3A_448 = arith.constant 4 : i32
        %mul3A_449 = arith.muli %mul3A_448, %scan3A_316 : i32
        %add3A_450 = arith.constant 2 : i32
        %add3A_451 = arith.addi %mul3A_449, %add3A_450 : i32
        %sub3A_452 = arith.constant 127 : i32
        %sub3A_453 = arith.subi %sub3A_452, %add3A_451 : i32
        %mul3A_454 = arith.constant 16 : i32
        %mul3A_455 = arith.muli %sub3A_453, %mul3A_454 : i32
        %get3A_456 = arith.index_cast %mul3A_455 : i32 to index
        %get3A_457 = tpu.vector_load %arg7[%get3A_456] {strides = array<i32>} : memref<2048xf32, #tpu.memory_space<vmem>>, vector<16xf32>,
        %get3A_458 = arith.index_cast %mul3A_455 : i32 to index
        %get3A_459 = tpu.vector_load %arg8[%get3A_458] {strides = array<i32>} : memref<2048xf32, #tpu.memory_space<vmem>>, vector<16xf32>,
        %get3A_460 = arith.index_cast %mul3A_455 : i32 to index
        %get3A_461 = tpu.vector_load %arg9[%get3A_460] {strides = array<i32>} : memref<2048xf32, #tpu.memory_space<vmem>>, vector<16xf32>,
        %gt3A_462 = arith.constant 0.000000e+00 : f32
        %gt3A_463 = vector.broadcast %gt3A_462 : f32 to vector<16xf32>
        %gt3A_464 = arith.cmpf ogt, %get3A_457, %gt3A_463 : vector<16xf32>
        %jit3A_465 = arith.constant 4 : i32
        %jit3A_466 = arith.constant 0 : i32
        %broadcast_in_dim3A_467 = vector.broadcast %jit3A_465 : i32 to vector<16xi32>
        %broadcast_in_dim3A_468 = vector.broadcast %jit3A_466 : i32 to vector<16xi32>
        %select_n3A_469 = arith.select %gt3A_464, %broadcast_in_dim3A_467, %broadcast_in_dim3A_468 : vector<16xi1>, vector<16xi32>
        %gt3A_470 = arith.constant 0.000000e+00 : f32
        %gt3A_471 = vector.broadcast %gt3A_470 : f32 to vector<16xf32>
        %gt3A_472 = arith.cmpf ogt, %get3A_459, %gt3A_471 : vector<16xf32>
        %jit3A_473 = arith.constant 2 : i32
        %jit3A_474 = arith.constant 0 : i32
        %broadcast_in_dim3A_475 = vector.broadcast %jit3A_473 : i32 to vector<16xi32>
        %broadcast_in_dim3A_476 = vector.broadcast %jit3A_474 : i32 to vector<16xi32>
        %select_n3A_477 = arith.select %gt3A_472, %broadcast_in_dim3A_475, %broadcast_in_dim3A_476 : vector<16xi1>, vector<16xi32>
        %add3A_478 = arith.addi %select_n3A_469, %select_n3A_477 : vector<16xi32>
        %gt3A_479 = arith.constant 0.000000e+00 : f32
        %gt3A_480 = vector.broadcast %gt3A_479 : f32 to vector<16xf32>
        %gt3A_481 = arith.cmpf ogt, %get3A_461, %gt3A_480 : vector<16xf32>
        %jit3A_482 = arith.constant 1 : i32
        %jit3A_483 = arith.constant 0 : i32
        %broadcast_in_dim3A_484 = vector.broadcast %jit3A_482 : i32 to vector<16xi32>
        %broadcast_in_dim3A_485 = vector.broadcast %jit3A_483 : i32 to vector<16xi32>
        %select_n3A_486 = arith.select %gt3A_481, %broadcast_in_dim3A_484, %broadcast_in_dim3A_485 : vector<16xi1>, vector<16xi32>
        %add3A_487 = arith.addi %add3A_478, %select_n3A_486 : vector<16xi32>
        %rev3A_488 = arith.constant 15 : i32
        %rev3A_489 = vector.broadcast %rev3A_488 : i32 to vector<16xi32>
        %rev3A_490 = tpu.iota {dimensions = array<i32: 0>} : vector<16xi32>
        %rev3A_491 = arith.subi %rev3A_489, %rev3A_490 : vector<16xi32>
        %rev3A_492 = tpu.dynamic_gather %add3A_487[%rev3A_491] in [0] : vector<16xi32>, vector<16xi32> -> vector<16xi32>
        %add3A_493 = arith.constant 16 : i32
        %add3A_494 = arith.addi %mul3A_455, %add3A_493 : i32
        %sub3A_495 = arith.constant 1 : i32
        %sub3A_496 = arith.subi %add3A_494, %sub3A_495 : i32
        %sub3A_497 = vector.broadcast %sub3A_496 : i32 to vector<16xi32>
        %sub3A_498 = arith.subi %sub3A_497, %iota3A : vector<16xi32>
        %broadcast_in_dim3A_499 = arith.constant true
        %broadcast_in_dim3A_500 = vector.broadcast %broadcast_in_dim3A_499 : i1 to vector<16xi1>
        %unique3A_501, %unique3A_502 = tpu.scan_count mask(%broadcast_in_dim3A_500 : vector<16xi1>) value(%rev3A_492 : vector<16xi32>) : vector<16xi1>, vector<16xi32>
        %gather3A_503 = arith.constant 0 : i32
        %gather3A_504 = tpu.memref_slice %arg12[%gather3A_503] : memref<16xi32, #tpu.memory_space<vmem>> -> memref<16xi32, #tpu.memory_space<vmem>>
        %gather3A_505 = tpu.vector_load_idx %gather3A_504[%rev3A_492] : memref<16xi32, #tpu.memory_space<vmem>>[vector<16xi32>], vector<16xi32>,
        %add3A_506 = arith.addi %gather3A_505, %unique3A_502 : vector<16xi32>
        %sub3A_507 = arith.constant 1 : i32
        %sub3A_508 = vector.broadcast %sub3A_507 : i32 to vector<16xi32>
        %sub3A_509 = arith.subi %add3A_506, %sub3A_508 : vector<16xi32>
        %scatter3A_510 = arith.constant 0 : i32
        %scatter3A_511 = arith.constant 0 : i32
        %scatter3A_512 = tpu.memref_slice %arg11[%scatter3A_510, %scatter3A_511] : memref<8x2048xi32, #tpu.memory_space<vmem>> -> memref<8x2048xi32, #tpu.memory_space<vmem>>
        tpu.vector_store_idx %scatter3A_512[%rev3A_492, %sub3A_509], %sub3A_498 : memref<8x2048xi32, #tpu.memory_space<vmem>>[vector<16xi32>, vector<16xi32>], vector<16xi32>,
        %scatter3A_513 = arith.constant 0 : i32
        %scatter3A_514 = tpu.memref_slice %arg12[%scatter3A_513] : memref<16xi32, #tpu.memory_space<vmem>> -> memref<16xi32, #tpu.memory_space<vmem>>
        tpu.vector_store_idx %scatter3A_514[%rev3A_492], %add3A_506 masked %unique3A_501 : memref<16xi32, #tpu.memory_space<vmem>>[vector<16xi32>], vector<16xi32>, vector<16xi1>
        %mul3A_515 = arith.constant 4 : i32
        %mul3A_516 = arith.muli %mul3A_515, %scan3A_316 : i32
        %add3A_517 = arith.constant 3 : i32
        %add3A_518 = arith.addi %mul3A_516, %add3A_517 : i32
        %sub3A_519 = arith.constant 127 : i32
        %sub3A_520 = arith.subi %sub3A_519, %add3A_518 : i32
        %mul3A_521 = arith.constant 16 : i32
        %mul3A_522 = arith.muli %sub3A_520, %mul3A_521 : i32
        %get3A_523 = arith.index_cast %mul3A_522 : i32 to index
        %get3A_524 = tpu.vector_load %arg7[%get3A_523] {strides = array<i32>} : memref<2048xf32, #tpu.memory_space<vmem>>, vector<16xf32>,
        %get3A_525 = arith.index_cast %mul3A_522 : i32 to index
        %get3A_526 = tpu.vector_load %arg8[%get3A_525] {strides = array<i32>} : memref<2048xf32, #tpu.memory_space<vmem>>, vector<16xf32>,
        %get3A_527 = arith.index_cast %mul3A_522 : i32 to index
        %get3A_528 = tpu.vector_load %arg9[%get3A_527] {strides = array<i32>} : memref<2048xf32, #tpu.memory_space<vmem>>, vector<16xf32>,
        %gt3A_529 = arith.constant 0.000000e+00 : f32
        %gt3A_530 = vector.broadcast %gt3A_529 : f32 to vector<16xf32>
        %gt3A_531 = arith.cmpf ogt, %get3A_524, %gt3A_530 : vector<16xf32>
        %jit3A_532 = arith.constant 4 : i32
        %jit3A_533 = arith.constant 0 : i32
        %broadcast_in_dim3A_534 = vector.broadcast %jit3A_532 : i32 to vector<16xi32>
        %broadcast_in_dim3A_535 = vector.broadcast %jit3A_533 : i32 to vector<16xi32>
        %select_n3A_536 = arith.select %gt3A_531, %broadcast_in_dim3A_534, %broadcast_in_dim3A_535 : vector<16xi1>, vector<16xi32>
        %gt3A_537 = arith.constant 0.000000e+00 : f32
        %gt3A_538 = vector.broadcast %gt3A_537 : f32 to vector<16xf32>
        %gt3A_539 = arith.cmpf ogt, %get3A_526, %gt3A_538 : vector<16xf32>
        %jit3A_540 = arith.constant 2 : i32
        %jit3A_541 = arith.constant 0 : i32
        %broadcast_in_dim3A_542 = vector.broadcast %jit3A_540 : i32 to vector<16xi32>
        %broadcast_in_dim3A_543 = vector.broadcast %jit3A_541 : i32 to vector<16xi32>
        %select_n3A_544 = arith.select %gt3A_539, %broadcast_in_dim3A_542, %broadcast_in_dim3A_543 : vector<16xi1>, vector<16xi32>
        %add3A_545 = arith.addi %select_n3A_536, %select_n3A_544 : vector<16xi32>
        %gt3A_546 = arith.constant 0.000000e+00 : f32
        %gt3A_547 = vector.broadcast %gt3A_546 : f32 to vector<16xf32>
        %gt3A_548 = arith.cmpf ogt, %get3A_528, %gt3A_547 : vector<16xf32>
        %jit3A_549 = arith.constant 1 : i32
        %jit3A_550 = arith.constant 0 : i32
        %broadcast_in_dim3A_551 = vector.broadcast %jit3A_549 : i32 to vector<16xi32>
        %broadcast_in_dim3A_552 = vector.broadcast %jit3A_550 : i32 to vector<16xi32>
        %select_n3A_553 = arith.select %gt3A_548, %broadcast_in_dim3A_551, %broadcast_in_dim3A_552 : vector<16xi1>, vector<16xi32>
        %add3A_554 = arith.addi %add3A_545, %select_n3A_553 : vector<16xi32>
        %rev3A_555 = arith.constant 15 : i32
        %rev3A_556 = vector.broadcast %rev3A_555 : i32 to vector<16xi32>
        %rev3A_557 = tpu.iota {dimensions = array<i32: 0>} : vector<16xi32>
        %rev3A_558 = arith.subi %rev3A_556, %rev3A_557 : vector<16xi32>
        %rev3A_559 = tpu.dynamic_gather %add3A_554[%rev3A_558] in [0] : vector<16xi32>, vector<16xi32> -> vector<16xi32>
        %add3A_560 = arith.constant 16 : i32
        %add3A_561 = arith.addi %mul3A_522, %add3A_560 : i32
        %sub3A_562 = arith.constant 1 : i32
        %sub3A_563 = arith.subi %add3A_561, %sub3A_562 : i32
        %sub3A_564 = vector.broadcast %sub3A_563 : i32 to vector<16xi32>
        %sub3A_565 = arith.subi %sub3A_564, %iota3A : vector<16xi32>
        %broadcast_in_dim3A_566 = arith.constant true
        %broadcast_in_dim3A_567 = vector.broadcast %broadcast_in_dim3A_566 : i1 to vector<16xi1>
        %unique3A_568, %unique3A_569 = tpu.scan_count mask(%broadcast_in_dim3A_567 : vector<16xi1>) value(%rev3A_559 : vector<16xi32>) : vector<16xi1>, vector<16xi32>
        %gather3A_570 = arith.constant 0 : i32
        %gather3A_571 = tpu.memref_slice %arg12[%gather3A_570] : memref<16xi32, #tpu.memory_space<vmem>> -> memref<16xi32, #tpu.memory_space<vmem>>
        %gather3A_572 = tpu.vector_load_idx %gather3A_571[%rev3A_559] : memref<16xi32, #tpu.memory_space<vmem>>[vector<16xi32>], vector<16xi32>,
        %add3A_573 = arith.addi %gather3A_572, %unique3A_569 : vector<16xi32>
        %sub3A_574 = arith.constant 1 : i32
        %sub3A_575 = vector.broadcast %sub3A_574 : i32 to vector<16xi32>
        %sub3A_576 = arith.subi %add3A_573, %sub3A_575 : vector<16xi32>
        %scatter3A_577 = arith.constant 0 : i32
        %scatter3A_578 = arith.constant 0 : i32
        %scatter3A_579 = tpu.memref_slice %arg11[%scatter3A_577, %scatter3A_578] : memref<8x2048xi32, #tpu.memory_space<vmem>> -> memref<8x2048xi32, #tpu.memory_space<vmem>>
        tpu.vector_store_idx %scatter3A_579[%rev3A_559, %sub3A_576], %sub3A_565 : memref<8x2048xi32, #tpu.memory_space<vmem>>[vector<16xi32>, vector<16xi32>], vector<16xi32>,
        %scatter3A_580 = arith.constant 0 : i32
        %scatter3A_581 = tpu.memref_slice %arg12[%scatter3A_580] : memref<16xi32, #tpu.memory_space<vmem>> -> memref<16xi32, #tpu.memory_space<vmem>>
        tpu.vector_store_idx %scatter3A_581[%rev3A_559], %add3A_573 masked %unique3A_568 : memref<16xi32, #tpu.memory_space<vmem>>[vector<16xi32>], vector<16xi32>, vector<16xi1>
        %scan3A_582 = arith.constant 0 : i32
        scf.yield %scan3A_582 : i32
      }
      %scan3A_241 = arith.constant 32 : i32
      %get3A_242 = arith.constant 0 : index
      %get3A_243 = tpu.vector_load %arg12[%get3A_242] {strides = array<i32>} : memref<16xi32, #tpu.memory_space<vmem>>, vector<16xi32>,
      %get3A_244 = arith.constant 0 : index
      %get3A_245 = tpu.vector_load %arg14[%get3A_244] {strides = array<i32>} : memref<16xi32, #tpu.memory_space<vmem>>, vector<16xi32>,
      %sub3A_246 = arith.subi %get3A_245, %get3A_243 : vector<16xi32>
      %max3A_247 = arith.constant 0 : i32
      %max3A_248 = vector.broadcast %max3A_247 : i32 to vector<16xi32>
      %max3A_249 = arith.maxsi %sub3A_246, %max3A_248 : vector<16xi32>
      %reduce_max3A_250 = arith.constant true
      %reduce_max3A_251 = vector.broadcast %reduce_max3A_250 : i1 to vector<16xi1>
      %reduce_max3A_252 = arith.constant -2147483648 : i32
      %reduce_max3A_253 = vector.broadcast %reduce_max3A_252 : i32 to vector<16xi32>
      %reduce_max3A_254 = arith.xori %max3A_249, %reduce_max3A_253 : vector<16xi32>
      %reduce_max3A_255 = tpu.scan <max>, %reduce_max3A_254 masked %reduce_max3A_251 : vector<16xi32>, vector<16xi1> -> vector<16xi32>
      %reduce_max3A_256 = arith.xori %reduce_max3A_255, %reduce_max3A_253 : vector<16xi32>
      %reduce_max3A_257 = vector.extract %reduce_max3A_256[15] : i32 from vector<16xi32>
      %and3A_258 = arith.constant 7 : i32
      %and3A_259 = vector.broadcast %and3A_258 : i32 to vector<16xi32>
      %and3A_260 = arith.andi %iota3A, %and3A_259 : vector<16xi32>
      %lt3A_261 = arith.constant 0 : i32
      %lt3A_262 = vector.broadcast %lt3A_261 : i32 to vector<16xi32>
      %lt3A_263 = arith.cmpi slt, %and3A_260, %lt3A_262 : vector<16xi32>
      %add3A_264 = arith.constant 16 : i32
      %add3A_265 = vector.broadcast %add3A_264 : i32 to vector<16xi32>
      %add3A_266 = arith.addi %and3A_260, %add3A_265 : vector<16xi32>
      %select_n3A_267 = arith.select %lt3A_263, %add3A_266, %and3A_260 : vector<16xi1>, vector<16xi32>
      %broadcast_in_dim3A_268 = vector.shape_cast %select_n3A_267 : vector<16xi32> to vector<16x1xi32>
      %gather3A_269 = vector.shape_cast %broadcast_in_dim3A_268 : vector<16x1xi32> to vector<16xi32>
      %gather3A_270 = tpu.dynamic_gather %get3A_243[%gather3A_269] in [0] : vector<16xi32>, vector<16xi32> -> vector<16xi32>
      %lt3A_271 = arith.constant 0 : i32
      %lt3A_272 = vector.broadcast %lt3A_271 : i32 to vector<16xi32>
      %lt3A_273 = arith.cmpi slt, %and3A_260, %lt3A_272 : vector<16xi32>
      %add3A_274 = arith.constant 16 : i32
      %add3A_275 = vector.broadcast %add3A_274 : i32 to vector<16xi32>
      %add3A_276 = arith.addi %and3A_260, %add3A_275 : vector<16xi32>
      %select_n3A_277 = arith.select %lt3A_273, %add3A_276, %and3A_260 : vector<16xi1>, vector<16xi32>
      %broadcast_in_dim3A_278 = vector.shape_cast %select_n3A_277 : vector<16xi32> to vector<16x1xi32>
      %gather3A_279 = vector.shape_cast %broadcast_in_dim3A_278 : vector<16x1xi32> to vector<16xi32>
      %gather3A_280 = tpu.dynamic_gather %get3A_245[%gather3A_279] in [0] : vector<16xi32>, vector<16xi32> -> vector<16xi32>
      %shift_right_arithmetic3A_281 = arith.constant 3 : i32
      %shift_right_arithmetic3A_282 = vector.broadcast %shift_right_arithmetic3A_281 : i32 to vector<16xi32>
      %shift_right_arithmetic3A_283 = arith.shrsi %iota3A, %shift_right_arithmetic3A_282 : vector<16xi32>
      %add3A_284 = arith.constant 1 : i32
      %add3A_285 = arith.addi %reduce_max3A_257, %add3A_284 : i32
      %shift_right_arithmetic3A_286 = arith.constant 1 : i32
      %shift_right_arithmetic3A_287 = arith.shrsi %add3A_285, %shift_right_arithmetic3A_286 : i32
      %while3A_288 = arith.constant 0 : i32
      %while3A_289 = arith.constant 0 : i32
      %while3A_290 = arith.subi %shift_right_arithmetic3A_287, %while3A_288 : i32
      %while3A_291 = arith.addi %while3A_288, %while3A_290 : i32
      %while3A_292 = arith.constant 1 : i32
      %while3A_293 = arith.divsi %while3A_290, %while3A_292 : i32
      %while3A_294 = arith.muli %while3A_293, %while3A_292 : i32
      %while3A_295 = arith.addi %while3A_288, %while3A_294 : i32
      %while3A_296 = arith.constant 1 : i32
      %while3A_297 = scf.for %while3A_316 = %while3A_288 to %while3A_295 step %while3A_296 iter_args(%while3A_317 = %while3A_289) -> (i32)  : i32 {
        %mul3A_318 = arith.constant 2 : i32
        %mul3A_319 = arith.muli %mul3A_318, %while3A_316 : i32
        %add3A_320 = vector.broadcast %mul3A_319 : i32 to vector<16xi32>
        %add3A_321 = arith.addi %gather3A_270, %add3A_320 : vector<16xi32>
        %add3A_322 = arith.addi %add3A_321, %shift_right_arithmetic3A_283 : vector<16xi32>
        %lt3A_323 = arith.cmpi slt, %add3A_322, %gather3A_280 : vector<16xi32>
        %min3A = arith.constant 2047 : i32
        %min3A_324 = vector.broadcast %min3A : i32 to vector<16xi32>
        %min3A_325 = arith.minsi %add3A_322, %min3A_324 : vector<16xi32>
        %scatter3A = arith.constant 0 : i32
        %scatter3A_326 = arith.constant 0 : i32
        %scatter3A_327 = tpu.memref_slice %arg11[%scatter3A, %scatter3A_326] : memref<8x2048xi32, #tpu.memory_space<vmem>> -> memref<8x2048xi32, #tpu.memory_space<vmem>>
        tpu.vector_store_idx %scatter3A_327[%and3A_260, %min3A_325], %broadcast_in_dim3A_3 masked %lt3A_323 : memref<8x2048xi32, #tpu.memory_space<vmem>>[vector<16xi32>, vector<16xi32>], vector<16xi32>, vector<16xi1>
        %while3A_328 = arith.constant 0 : i32
        scf.yield %while3A_328 : i32
      }
      %while3A_298 = arith.constant 1 : i32
      %while3A_299 = scf.for %while3A_316 = %while3A_295 to %while3A_291 step %while3A_298 iter_args(%while3A_317 = %while3A_297) -> (i32)  : i32 {
        %mul3A_318 = arith.constant 2 : i32
        %mul3A_319 = arith.muli %mul3A_318, %while3A_316 : i32
        %add3A_320 = vector.broadcast %mul3A_319 : i32 to vector<16xi32>
        %add3A_321 = arith.addi %gather3A_270, %add3A_320 : vector<16xi32>
        %add3A_322 = arith.addi %add3A_321, %shift_right_arithmetic3A_283 : vector<16xi32>
        %lt3A_323 = arith.cmpi slt, %add3A_322, %gather3A_280 : vector<16xi32>
        %min3A = arith.constant 2047 : i32
        %min3A_324 = vector.broadcast %min3A : i32 to vector<16xi32>
        %min3A_325 = arith.minsi %add3A_322, %min3A_324 : vector<16xi32>
        %scatter3A = arith.constant 0 : i32
        %scatter3A_326 = arith.constant 0 : i32
        %scatter3A_327 = tpu.memref_slice %arg11[%scatter3A, %scatter3A_326] : memref<8x2048xi32, #tpu.memory_space<vmem>> -> memref<8x2048xi32, #tpu.memory_space<vmem>>
        tpu.vector_store_idx %scatter3A_327[%and3A_260, %min3A_325], %broadcast_in_dim3A_3 masked %lt3A_323 : memref<8x2048xi32, #tpu.memory_space<vmem>>[vector<16xi32>, vector<16xi32>], vector<16xi32>, vector<16xi1>
        %while3A_328 = arith.constant 0 : i32
        scf.yield %while3A_328 : i32
      }
      %swap3A_300 = arith.constant 0 : index
      %swap3A_301 = tpu.vector_load %arg14[%swap3A_300] {strides = array<i32>} : memref<16xi32, #tpu.memory_space<vmem>>, vector<16xi32>,
      tpu.vector_store %arg14[%swap3A_300], %get3A_243 {strides = array<i32>} : memref<16xi32, #tpu.memory_space<vmem>>, vector<16xi32>,
      %dma_start3A_302 = arith.constant 0 : i32
      %dma_start3A_303 = arith.constant 0 : i32
      %dma_start3A_304 = tpu.memref_slice %arg3[%add3A_206, %dma_start3A_302, %dma_start3A_303] : memref<1024x8x2048xi32, #tpu.memory_space<hbm>> -> memref<1x8x2048xi32, #tpu.memory_space<hbm>>
      %dma_start3A_305 = tpu.memref_squeeze %dma_start3A_304 : memref<1x8x2048xi32, #tpu.memory_space<hbm>> -> memref<8x2048xi32, #tpu.memory_space<hbm>>
      %dma_start3A_306 = arith.constant 0 : i32
      %dma_start3A_307 = arith.constant 0 : i32
      %dma_start3A_308 = tpu.memref_slice %arg3[%add3A_206, %dma_start3A_306, %dma_start3A_307] : memref<1024x8x2048xi32, #tpu.memory_space<hbm>> -> memref<1x8x2048xi32, #tpu.memory_space<hbm>>
      %dma_start3A_309 = tpu.memref_squeeze %dma_start3A_308 : memref<1x8x2048xi32, #tpu.memory_space<hbm>> -> memref<8x2048xi32, #tpu.memory_space<hbm>>
      tpu.enqueue_dma source(%arg11 : memref<8x2048xi32, #tpu.memory_space<vmem>>) target(%dma_start3A_309 : memref<8x2048xi32, #tpu.memory_space<hbm>>) target_semaphore(%arg18 : memref<!tpu.dma_semaphore, #tpu.memory_space<semaphore_mem>>)
      %lt3A_310 = arith.constant 30 : i32
      %lt3A_311 = arith.cmpi slt, %add3A_205, %lt3A_310 : i32
      %convert_element_type3A_312 = arith.extui %lt3A_311 : i1 to i32
      %cond3A_313 = arith.constant 0 : i32
      %cond3A_314 = arith.cmpi ne, %convert_element_type3A_312, %cond3A_313 : i32
      scf.if %cond3A_314 {
        %add3A_316 = arith.constant 2 : i32
        %add3A_317 = arith.addi %add3A_206, %add3A_316 : i32
        %dma_start3A_318 = arith.constant 0 : i32
        %dma_start3A_319 = arith.constant 0 : i32
        %dma_start3A_320 = tpu.memref_slice %arg2[%dma_start3A_318, %add3A_317, %dma_start3A_319] : memref<3x1024x2048xf32, #tpu.memory_space<hbm>> -> memref<1x1x2048xf32, #tpu.memory_space<hbm>>
        %dma_start3A_321 = tpu.memref_squeeze %dma_start3A_320 : memref<1x1x2048xf32, #tpu.memory_space<hbm>> -> memref<2048xf32, #tpu.memory_space<hbm>>
        %dma_start3A_322 = arith.constant 0 : i32
        %dma_start3A_323 = tpu.memref_slice %arg2[%dma_start3A_318, %add3A_317, %dma_start3A_322] : memref<3x1024x2048xf32, #tpu.memory_space<hbm>> -> memref<1x1x2048xf32, #tpu.memory_space<hbm>>
        %dma_start3A_324 = tpu.memref_squeeze %dma_start3A_323 : memref<1x1x2048xf32, #tpu.memory_space<hbm>> -> memref<2048xf32, #tpu.memory_space<hbm>>
        tpu.enqueue_dma source(%dma_start3A_324 : memref<2048xf32, #tpu.memory_space<hbm>>) target(%arg7 : memref<2048xf32, #tpu.memory_space<vmem>>) target_semaphore(%arg16 : memref<!tpu.dma_semaphore, #tpu.memory_space<semaphore_mem>>)
        %add3A_325 = arith.constant 2 : i32
        %add3A_326 = arith.addi %add3A_206, %add3A_325 : i32
        %dma_start3A_327 = arith.constant 1 : i32
        %dma_start3A_328 = arith.constant 0 : i32
        %dma_start3A_329 = tpu.memref_slice %arg2[%dma_start3A_327, %add3A_326, %dma_start3A_328] : memref<3x1024x2048xf32, #tpu.memory_space<hbm>> -> memref<1x1x2048xf32, #tpu.memory_space<hbm>>
        %dma_start3A_330 = tpu.memref_squeeze %dma_start3A_329 : memref<1x1x2048xf32, #tpu.memory_space<hbm>> -> memref<2048xf32, #tpu.memory_space<hbm>>
        %dma_start3A_331 = arith.constant 0 : i32
        %dma_start3A_332 = tpu.memref_slice %arg2[%dma_start3A_327, %add3A_326, %dma_start3A_331] : memref<3x1024x2048xf32, #tpu.memory_space<hbm>> -> memref<1x1x2048xf32, #tpu.memory_space<hbm>>
        %dma_start3A_333 = tpu.memref_squeeze %dma_start3A_332 : memref<1x1x2048xf32, #tpu.memory_space<hbm>> -> memref<2048xf32, #tpu.memory_space<hbm>>
        tpu.enqueue_dma source(%dma_start3A_333 : memref<2048xf32, #tpu.memory_space<hbm>>) target(%arg8 : memref<2048xf32, #tpu.memory_space<vmem>>) target_semaphore(%arg16 : memref<!tpu.dma_semaphore, #tpu.memory_space<semaphore_mem>>)
        %add3A_334 = arith.constant 2 : i32
        %add3A_335 = arith.addi %add3A_206, %add3A_334 : i32
        %dma_start3A_336 = arith.constant 2 : i32
        %dma_start3A_337 = arith.constant 0 : i32
        %dma_start3A_338 = tpu.memref_slice %arg2[%dma_start3A_336, %add3A_335, %dma_start3A_337] : memref<3x1024x2048xf32, #tpu.memory_space<hbm>> -> memref<1x1x2048xf32, #tpu.memory_space<hbm>>
        %dma_start3A_339 = tpu.memref_squeeze %dma_start3A_338 : memref<1x1x2048xf32, #tpu.memory_space<hbm>> -> memref<2048xf32, #tpu.memory_space<hbm>>
        %dma_start3A_340 = arith.constant 0 : i32
        %dma_start3A_341 = tpu.memref_slice %arg2[%dma_start3A_336, %add3A_335, %dma_start3A_340] : memref<3x1024x2048xf32, #tpu.memory_space<hbm>> -> memref<1x1x2048xf32, #tpu.memory_space<hbm>>
        %dma_start3A_342 = tpu.memref_squeeze %dma_start3A_341 : memref<1x1x2048xf32, #tpu.memory_space<hbm>> -> memref<2048xf32, #tpu.memory_space<hbm>>
        tpu.enqueue_dma source(%dma_start3A_342 : memref<2048xf32, #tpu.memory_space<hbm>>) target(%arg9 : memref<2048xf32, #tpu.memory_space<vmem>>) target_semaphore(%arg16 : memref<!tpu.dma_semaphore, #tpu.memory_space<semaphore_mem>>)
      } else {
      }
      %scan3A_315 = arith.constant 0 : i32
      scf.yield %scan3A_315 : i32
    }
    %scan3A_72 = arith.constant 16 : i32
    %add3A_73 = arith.constant 32 : i32
    %add3A_74 = arith.addi %mul3A_2, %add3A_73 : i32
    %sub3A = arith.constant 2 : i32
    %sub3A_75 = arith.subi %add3A_74, %sub3A : i32
    %add3A_76 = arith.constant 0 : i32
    %add3A_77 = arith.addi %sub3A_75, %add3A_76 : i32
    %dma_wait3A = arith.constant 0 : i32
    %dma_wait3A_78 = arith.constant 0 : i32
    %dma_wait3A_79 = tpu.memref_slice %arg3[%add3A_77, %dma_wait3A, %dma_wait3A_78] : memref<1024x8x2048xi32, #tpu.memory_space<hbm>> -> memref<1x8x2048xi32, #tpu.memory_space<hbm>>
    %dma_wait3A_80 = tpu.memref_squeeze %dma_wait3A_79 : memref<1x8x2048xi32, #tpu.memory_space<hbm>> -> memref<8x2048xi32, #tpu.memory_space<hbm>>
    %dma_wait3A_81 = arith.constant 0 : i32
    %dma_wait3A_82 = arith.constant 0 : i32
    %dma_wait3A_83 = tpu.memref_slice %arg3[%add3A_77, %dma_wait3A_81, %dma_wait3A_82] : memref<1024x8x2048xi32, #tpu.memory_space<hbm>> -> memref<1x8x2048xi32, #tpu.memory_space<hbm>>
    %dma_wait3A_84 = tpu.memref_squeeze %dma_wait3A_83 : memref<1x8x2048xi32, #tpu.memory_space<hbm>> -> memref<8x2048xi32, #tpu.memory_space<hbm>>
    tpu.wait_dma2 semaphore(%arg17 : memref<!tpu.dma_semaphore, #tpu.memory_space<semaphore_mem>>) src(%arg10 : memref<8x2048xi32, #tpu.memory_space<vmem>>) dst(%dma_wait3A_84 : memref<8x2048xi32, #tpu.memory_space<hbm>>)
    %add3A_85 = arith.constant 32 : i32
    %add3A_86 = arith.addi %mul3A_2, %add3A_85 : i32
    %sub3A_87 = arith.constant 2 : i32
    %sub3A_88 = arith.subi %add3A_86, %sub3A_87 : i32
    %add3A_89 = arith.constant 1 : i32
    %add3A_90 = arith.addi %sub3A_88, %add3A_89 : i32
    %dma_wait3A_91 = arith.constant 0 : i32
    %dma_wait3A_92 = arith.constant 0 : i32
    %dma_wait3A_93 = tpu.memref_slice %arg3[%add3A_90, %dma_wait3A_91, %dma_wait3A_92] : memref<1024x8x2048xi32, #tpu.memory_space<hbm>> -> memref<1x8x2048xi32, #tpu.memory_space<hbm>>
    %dma_wait3A_94 = tpu.memref_squeeze %dma_wait3A_93 : memref<1x8x2048xi32, #tpu.memory_space<hbm>> -> memref<8x2048xi32, #tpu.memory_space<hbm>>
    %dma_wait3A_95 = arith.constant 0 : i32
    %dma_wait3A_96 = arith.constant 0 : i32
    %dma_wait3A_97 = tpu.memref_slice %arg3[%add3A_90, %dma_wait3A_95, %dma_wait3A_96] : memref<1024x8x2048xi32, #tpu.memory_space<hbm>> -> memref<1x8x2048xi32, #tpu.memory_space<hbm>>
    %dma_wait3A_98 = tpu.memref_squeeze %dma_wait3A_97 : memref<1x8x2048xi32, #tpu.memory_space<hbm>> -> memref<8x2048xi32, #tpu.memory_space<hbm>>
    tpu.wait_dma2 semaphore(%arg18 : memref<!tpu.dma_semaphore, #tpu.memory_space<semaphore_mem>>) src(%arg11 : memref<8x2048xi32, #tpu.memory_space<vmem>>) dst(%dma_wait3A_98 : memref<8x2048xi32, #tpu.memory_space<hbm>>)
    return
  }
}

</mosaic_0001>

<sc_bundles>
// kernel: kernel.3.cloned.1.call-start
scs
__scs_entry_jumppad:
0x0: {  	(pc) =	sbr.rel $0x88, $3  }
0x1: {  	(tag) =	ssettag $0x0;
	lr =	simm.s32 $0x1  }
0x2: {  	[smem:$0x3FA0] =	sst lr;
	_ =	strace $0xD0000000  }
0x3: {  	_ = 	snop  }
0x4: {  	_ = 	snop  }
0x5: {  	_ = 	snop  }
0x6: {  	_ = 	snop  }
0x7: {  	_ = 	snop  }
__scs_overlays_trampoline_lowered:
0x8: {  	[smem:$0x3FAF] =	sst s0  }
0x9: {  	[smem:$0x3FB0] =	sst s1  }
0xa: {  	[smem:$0x3FB1] =	sst s2  }
0xb: {  	[smem:$0x3FB2] =	sst s3  }
0xc: {  	[smem:$0x3FB3] =	sst s4  }
0xd: {  	[smem:$0x3FB4] =	sst s5  }
0xe: {  	[smem:$0x3FB5] =	sst s6  }
0xf: {  	[smem:$0x3FB6] =	sst s7  }
0x10: {  	[smem:$0x3FB7] =	sst s8  }
0x11: {  	[smem:$0x3FB8] =	sst s9;
	s0 =	simm.s32 @!p0 $0x0  }
0x12: {  	s1 =	sld [smem:$0x3F9E];
	s0 =	simm.s32 @p0 $0x1  }
0x13: {  	[smem:$0x3FB9] =	sst s0;
	s0 =	simm.s32 @!p1 $0x0  }
0x14: {  	s2 =	sld [smem:$0x3F9D];
	s0 =	simm.s32 @p1 $0x1  }
0x15: {  	[smem:$0x3FBA] =	sst s0;
	s0 =	simm.s32 @!p2 $0x0  }
0x16: {  	s3 =	sld [smem:$0x3FDB];
	s0 =	simm.s32 @p2 $0x1  }
0x17: {  	s4 =	simm.s32 $0x1BF5;
	[smem:$0x3FBC] =	sst s0  }
0x18: {  	s0 =	sld [smem:$0x3F9F];
	_ =	swait.ge [sflag:s4], $0x0  }
0x19: {  	s7 =	sld [smem:$0x3FA0]  }
0x1a: {  	s8 =	sadd.s32 $0xFFFFE003, lr  }
0x1b: {  	s9 =	sadd.s32 $0xFFFFFEF7, lr;
	s5 =	simm.s32 $0xFFFFFFFF;
	p2 =	slt.u32 s8, $0xFFFFF086  }
0x1c: {  	p1 =	slt.u32 s9, $0xF7A;
	s5 =	simm.s32 @!p2 $0x0  }
0x1d: {  	s5 =	simm.s32 @p1 $0x1;
	p0 =	seq.s32 s7, s2  }
0x1e: {  	s7 =	smul.u32 @!p0 $0xF7A, s2;
	p2 =	seq.s32 @!p0 s5, $0x0  }
0x1f: {  	s9 =	smul.u32 $0xF7A, s1;
	s8 =	simm.s32 @!p0 $0x1BF5;
	p2 =	por !p2, p0  }
0x20: {  	[sflag:s8] =	ssyncset.s32 @!p0 $0xFFFFF086;
	s6 =	sadd.s32 @!p0 s3, s7;
	s7 =	simm.s32 @!p0 $0x108  }
0x21: {  	s3 =	sadd.s32 s3, s9;
	s6 =	sadd.s32 @!p0 $0x88, s6;
	s7 =	simm.s32 @p2 $0x1082  }
0x22: {  	[simem:s7], [sflag:s8] =	dma.local @!p0 [hbm:s6], $0xF7A  }
0x23: {  	s9 =	sor.u32 $0xD0000000, s2;
	s6 =	simm.s32 $0x108;
	_ =	swait.ge @!p0 [sflag:s8], $0x0  }
0x24: {  	s3 =	sadd.s32 $0x88, s3;
	s6 =	simm.s32 @!p1 $0x1082;
	[sflag:s4] =	ssyncset.s32 $0xFFFFF086  }
0x25: {  	[simem:s6], [sflag:s4] =	dma.local [hbm:s3], $0xF7A  }
0x26: {  	[smem:$0x3FA0] =	sst s1;
	(tag) =	ssettag s2;
	_ =	strace s9  }
0x27: {  	s1 =	sld [smem:$0x3FB0]  }
0x28: {  	s2 =	sld [smem:$0x3FB1]  }
0x29: {  	s4 =	sld [smem:$0x3FB3]  }
0x2a: {  	p0 =	seq.s32 s5, $0x0;
	s5 =	sld [smem:$0x3FB4]  }
0x2b: {  	s6 =	sld [smem:$0x3FB5]  }
0x2c: {  	s7 =	sld [smem:$0x3FB6]  }
0x2d: {  	s3 =	simm.s32 $0x108;
	s8 =	sld [smem:$0x3FB7]  }
0x2e: {  	s3 =	simm.s32 @!p0 $0x1082;
	s9 =	sld [smem:$0x3FB8]  }
0x2f: {  	lr =	sadd.s32 s0, s3;
	s0 =	sld [smem:$0x3FAF]  }
0x30: {  	s3 =	sld [smem:$0x3FB2]  }
0x31: {  	[smem:$0x3FBB] =	sst s10  }
0x32: {  	s10 =	sld [smem:$0x3FB9];
	_ =	sdelay $0x3  }
0x33: {  	p0 =	seq.s32 s10, $0x1;
	s10 =	sld [smem:$0x3FBB];
	_ =	sdelay $0x3  }
0x34: {  	[smem:$0x3FBB] =	sst s10  }
0x35: {  	s10 =	sld [smem:$0x3FBA];
	_ =	sdelay $0x3  }
0x36: {  	p1 =	seq.s32 s10, $0x1;
	s10 =	sld [smem:$0x3FBB];
	_ =	sdelay $0x3  }
0x37: {  	[smem:$0x3FBB] =	sst s10  }
0x38: {  	s10 =	sld [smem:$0x3FBC]  }
0x39: {  	_ = 	snop;
	(pc) =	sbr.ind lr, $3  }
0x3a: {  	_ = 	snop  }
0x3b: {  	_ = 	snop  }
0x3c: {  	p2 =	seq.s32 s10, $0x1;
	s10 =	sld [smem:$0x3FBB]  }
0x3d: {  	_ =	shalt  }
0x3e: {  	_ =	shalt  }
0x3f: {  	_ =	shalt  }
0x40: {  	_ =	shalt  }
0x41: {  	_ =	shalt  }
0x42: {  	_ =	shalt  }
0x43: {  	_ =	shalt  }
0x44: {  	_ =	shalt  }
0x45: {  	_ =	shalt  }
0x46: {  	_ =	shalt  }
0x47: {  	_ =	shalt  }
0x48: {  	_ =	shalt  }
0x49: {  	_ =	shalt  }
0x4a: {  	_ =	shalt  }
0x4b: {  	_ =	shalt  }
0x4c: {  	_ =	shalt  }
0x4d: {  	_ =	shalt  }
0x4e: {  	_ =	shalt  }
0x4f: {  	_ =	shalt  }
0x50: {  	_ =	shalt  }
0x51: {  	_ =	shalt  }
0x52: {  	_ =	shalt  }
0x53: {  	_ =	shalt  }
0x54: {  	_ =	shalt  }
0x55: {  	_ =	shalt  }
0x56: {  	_ =	shalt  }
0x57: {  	_ =	shalt  }
0x58: {  	_ =	shalt  }
0x59: {  	_ =	shalt  }
0x5a: {  	_ =	shalt  }
0x5b: {  	_ =	shalt  }
0x5c: {  	_ =	shalt  }
0x5d: {  	_ =	shalt  }
0x5e: {  	_ =	shalt  }
0x5f: {  	_ =	shalt  }
0x60: {  	_ =	shalt  }
0x61: {  	_ =	shalt  }
0x62: {  	_ =	shalt  }
0x63: {  	_ =	shalt  }
0x64: {  	_ =	shalt  }
0x65: {  	_ =	shalt  }
0x66: {  	_ =	shalt  }
0x67: {  	_ =	shalt  }
0x68: {  	_ =	shalt  }
0x69: {  	_ =	shalt  }
0x6a: {  	_ =	shalt  }
0x6b: {  	_ =	shalt  }
0x6c: {  	_ =	shalt  }
0x6d: {  	_ =	shalt  }
0x6e: {  	_ =	shalt  }
0x6f: {  	_ =	shalt  }
0x70: {  	_ =	shalt  }
0x71: {  	_ =	shalt  }
0x72: {  	_ =	shalt  }
0x73: {  	_ =	shalt  }
0x74: {  	_ =	shalt  }
0x75: {  	_ =	shalt  }
0x76: {  	_ =	shalt  }
0x77: {  	_ =	shalt  }
0x78: {  	_ =	shalt  }
0x79: {  	_ =	shalt  }
0x7a: {  	_ =	shalt  }
0x7b: {  	_ =	shalt  }
0x7c: {  	_ =	shalt  }
0x7d: {  	_ =	shalt  }
0x7e: {  	_ =	shalt  }
0x7f: {  	_ =	shalt  }
0x80: {  	_ =	shalt  }
0x81: {  	_ =	shalt  }
0x82: {  	_ =	shalt  }
0x83: {  	_ =	shalt  }
0x84: {  	_ =	shalt  }
0x85: {  	_ =	shalt  }
0x86: {  	_ =	shalt  }
0x87: {  	_ =	shalt  }
.Lfunc_end0:
.L_simem_size_0:
called_computation_lowered:
.L_overlay_start_0:
0x88: {  	s2 =	sld [smem:$0x3FD9]  }
0x89: {  	s3 =	sld [smem:$0x3FFE];
	_ =	sdelay $0x1  }
0x8a: {  	s1 =	srdreg.scid  }
0x8b: {  	s0 =	sand.u32 $0x1, s1  }
0x8c: {  	s18 =	sshll.u32 s0, $0xA;
	s2 =	sadd.s32 s3, s2  }
0x8d: {  	s2 =	sadd.s32 s2, s18  }
0x8e: {  	[smem:$0x3FC7] =	sst s2  }
0x8f: {  	_ = 	snop  }
0x90: {  	s2 =	sld [smem:$0x3FC9]  }
0x91: {  	s19 =	sld [smem:$0x3FD0];
	(tm) =	ssettm $0x1  }
0x92: {  	s4 =	sld [smem:$0x3FFB];
	_ =	sdelay $0x3  }
0x93: {  	_ =	strace s4  }
0x94: {  	s4 =	sld [smem:$0x3FFC];
	_ =	sdelay $0x3  }
0x95: {  	_ =	strace s4  }
0x96: {  	s4 =	sld [smem:$0x3FFD];
	_ =	sdelay $0x3  }
0x97: {  	_ =	strace s4  }
0x98: {  	_ =	strace $0x8FFFFFFF  }
0x99: {  	s20 =	sld [smem:$0x3FDB];
	_ =	sdelay $0x1  }
0x9a: {  	s5 =	simm.s32 $_scs_section_size  }
0x9b: {  	s6 =	simm.s32 $_size__tile_overlayer_lowered;
	s7 =	simm.s32 $_tile_overlayer_lowered  }
0x9c: {  	s23 =	simm.s32 $0x1BFF;
	s22 =	sshll.u32 s7, $0x1;
	s4 =	sadd.s32 s5, s20  }
0x9d: {  	s8 =	simm.s32 $0x0;
	s21 =	sshll.u32 s6, $0x1;
	s6 =	sadd.s32 s22, s4  }
0x9e: {  	[timem:s8], [sflag:s23] =	dma.local [hbm:s6], s21  }
0x9f: {  	_ =	swait.ge [sflag:s23], s21  }
0xa0: {  	s5 =	ssub.s32 $0x0, s21;
	[sflag:s23] =	ssyncset.done $0x0  }
0xa1: {  	[sflag:s23] =	ssyncadd.s32 s5;
	_ =	sdelay $0x1  }
0xa2: {  	s24 =	simm.s32 $0x1B8B  }
0xa3: {  	_ =	swait.ge [sflag:s24], $0x1  }
0xa4: {  	[sflag:s24] =	ssyncset.done $0x0  }
0xa5: {  	s25 =	simm.s32 $0x1B8E;
	[sflag:s24] =	ssyncadd.s32 $0xFFFFFFFF  }
0xa6: {  	s26 =	simm.s32 $execute0_lowered;
	[smem:$0x3FD2] =	sst s25  }
0xa7: {  	s5 =	sshll.u32 s26, $0x1;
	_ =	strace $0x80000046;
	[dreg:$0x1] =	wrdreg $0xFFFFFFFF  }
0xa8: {  	s28 =	simm.s32 $_size_execute0_lowered;
	s4 =	sadd.s32 s4, s5;
	[dreg:$0x0] =	wrdreg $0x0  }
0xa9: {  	s5 =	sshll.u32 s28, $0x1;
	[dreg:$0x2] =	wrdreg s4  }
0xaa: {  	[dreg:$0x3] =	wrdreg s5  }
0xab: {  	[dreg:$0x4] =	wrdreg $0xC0  }
0xac: {  	_ =	task [dreg:s8], $0x5FFFF  }
0xad: {  	[dreg:$0x1] =	wrdreg $0xFFFFFFFF  }
0xae: {  	[dreg:$0x0] =	wrdreg $0x60  }
0xaf: {  	[dreg:$0x2] =	wrdreg s2  }
0xb0: {  	[dreg:$0x3] =	wrdreg s19  }
0xb1: {  	[dreg:$0x4] =	wrdreg $0x9  }
0xb2: {  	_ =	task.clear_ibuf [dreg:s8], $0x5FFFF;
	_ =	strace $0x90000046  }
0xb3: {  	s29 =	simm.s32 $0x9;
	_ =	strace $0x80000048  }
0xb4: {  	_ =	swait.ge [sflag:s29], $0x1  }
0xb5: {  	[sflag:s29] =	ssyncadd.s32 $0xFFFFFFFF  }
0xb6: {  	_ =	strace $0x90000048  }
0xb7: {  	_ =	sfence  }
0xb8: {  	s30 =	sld [smem:$0x0];
	_ =	sdelay $0x2  }
0xb9: {  	s31 =	sshll.u32 s1, $0xD;
	s1 =	sshrl.u32 s1, $0x2  }
0xba: {  	s3 =	sand.u32 $0x4000, s31;
	s1 =	sadd.s32 s1, s30  }
0xbb: {  	s0 =	sor.u32 s3, s0;
	s1 =	sshll.u32 s1, $0x11  }
0xbc: {  	s0 =	sor.u32 s1, s0  }
0xbd: {  	s0 =	sadd.s32 $0x8F2B, s0  }
0xbe: {  	[sflag:s0] =	ssyncadd.remote.s32 $0x1  }
0xbf: {  	_ =	sfence.sel $0xFFFF  }
0xc0: {  	[dreg:$0x0] =	wrdreg $0xFFFFFFFF;
	(pc) =	sbr.abs _section_cstart, $3  }
0xc1: {  	[dreg:$0x1] =	wrdreg $0xFFFFFFFF  }
0xc2: {  	_ =	task.clear_ibuf [dreg:s8], $0x2FFFF;
	_ =	strace $0x9FFFFFFF  }
0xc3: {  	(tm) =	ssettm $0x7FFFFFFF  }
tec
execute0_lowered:
.L_overlay_start_1:
0x0: {  	(tag) =	ssettag $0x1  }
0x1: {  	s0 =	srdreg.scid;
	s2 =	rddreg [dreg:$0x0]  }
0x2: {  	s1 =	stileid.u32;
	s3 =	rddreg [dreg:$0x1]  }
0x3: {  	s5 =	simm.s32 $0x0;
	s14 =	simm.s32 $0x80;
	s15 =	simm.s32 $0x400  }
0x4: {  	s18 =	simm.s32 $0x1800;
	s19 =	simm.s32 $0x2000;
	s20 =	simm.s32 $0x2800  }
0x5: {  	s21 =	simm.s32 $0x1;
	s22 =	simm.s32 $0xB000;
	s23 =	simm.s32 $0x3000  }
0x6: {  	s24 =	simm.s32 $0x2;
	s25 =	simm.s32 $0x7000;
	s0 =	sand.u32 $0x1, s0  }
0x7: {  	s26 =	simm.s32 $0x3;
	s1 =	sshll.u32 s1, $0x6;
	s4 =	sshll.u32 s0, $0x5  }
0x8: {  	s28 =	simm.s32 $0x4;
	s29 =	simm.s32 $0x0;
	s4 =	sor.u32 s4, s1  }
0x9: {  	[smem:$0x7FF] =	sst s5;
	s0 =	ssub.s32 $0x2, s0;
	s1 =	sshll.u32 s4, $0x8  }
.Ltmp0:
0xa: {  	s7 =	sshrl.u32 s0, $0x1;
	s6 =	sadd.s32 s2, s1;
	(pc) =	sbr.rel .LBB2_1-.Ltmp0, $4  }
0xb: {  	v4 =	vlaneseq.u32;
	_ =	strace $0x80000047;
	s0 =	ssub.s32 s0, s7;
	s1 =	sadd.s32 $0x40000, s6  }
0xc: {  	v0 =	vmul.u32 $0xFFFFFFFF, v4;
	v2 =	vand.u32 $0x7, v4;
	s12 =	sor.u32 $0x1F, s4;
	s30 =	sadd.s32 $0x80000, s6;
	[dreg:$0x3] =	wrdreg s1  }
0xd: {  	v5 =	vmul.u32 $0x80, v2;
	s13 =	smax.u32 s0, $0x1;
	s31 =	sadd.s32 $0x10, s6;
	[dreg:$0x4] =	wrdreg s30  }
0xe: {  	v1 =	vimm.s32 $0x0;
	v4 =	vshrl.u32 v4, $0x3;
	v3 =	vadd.s32 $0xF, v0;
	s10 =	sadd.s32 $0x40010, s6;
	s11 =	sadd.s32 $0x80010, s6;
	[dreg:$0x5] =	wrdreg s31  }
.LBB2_20:
0xf: {  	s29 =	sadd.s32 $0x1, s29  }
0x10: {  	_ =	swait.ge [sflag:s26], $0x4000;
	p0 =	sne.s32 s29, s13  }
.Ltmp1:
0x11: {  	[sflag:s26] =	ssyncset.done $0x0;
	(pc) =	sbr.rel @!p0 .LBB2_21-.Ltmp1, $4  }
0x12: {  	[sflag:s26] =	ssyncadd.s32 $0xFFFFC000  }
0x13: {  	_ =	swait.ge [sflag:s28], $0x4000  }
0x14: {  	[sflag:s28] =	ssyncset.done $0x0  }
0x15: {  	[sflag:s28] =	ssyncadd.s32 $0xFFFFC000  }
.LBB2_1:
0x16: {  	[tilespmem:s5], [sflag:$0x1] =	stream.strided.gather [hbm4b:s6+s14], $0x800, s15, s14, $0x38;
	[tilespmem:$0xB180] =	vst v63  }
0x17: {  	s0 =	rddreg [dreg:$0x3];
	s1 =	simm.s32 $0x800  }
0x18: {  	[tilespmem:s1], [sflag:$0x1] =	stream.strided.gather [hbm4b:s0+s14], $0x800, s15, s14, $0x38;
	[tilespmem:$0xB180] =	vst v63  }
0x19: {  	s7 =	rddreg [dreg:$0x4];
	s8 =	simm.s32 $0x1000  }
0x1a: {  	[tilespmem:s8], [sflag:$0x1] =	stream.strided.gather [hbm4b:s7+s14], $0x800, s15, s14, $0x38;
	[tilespmem:$0xB180] =	vst v63  }
0x1b: {  	s9 =	rddreg [dreg:$0x5]  }
0x1c: {  	[tilespmem:s18], [sflag:$0x2] =	stream.strided.gather [hbm4b:s9+s14], $0x800, s15, s14, $0x38;
	[tilespmem:$0xB180] =	vst v63  }
0x1d: {  	s16 =	sand.u32 $0x60, s5;
	s17 =	sand.u32 $0x3C00, s5  }
0x1e: {  	[tilespmem:s19], [sflag:$0x2] =	stream.strided.gather [hbm4b:s10+s14], $0x800, s15, s14, $0x38;
	[tilespmem:$0xB180] =	vst v63  }
0x1f: {  	s0 =	sor.u32 s16, s17  }
0x20: {  	[tilespmem:s20], [sflag:$0x2] =	stream.strided.gather [hbm4b:s11+s14], $0x800, s15, s14, $0x38;
	[tilespmem:$0xB180] =	vst v63  }
0x21: {  	[tilespmem:s0+$0x3290] =	vst v1  }
0x22: {  	[tilespmem:s0+$0x3210] =	vst v1  }
0x23: {  	[tilespmem:s0+$0x3280] =	vst v1  }
0x24: {  	[tilespmem:s0+$0x3200] =	vst v1  }
0x25: {  	[tilespmem:s0+$0x3190] =	vst v1  }
0x26: {  	[tilespmem:s0+$0x3180] =	vst v1  }
0x27: {  	[tilespmem:s0+$0x3100] =	vst v1  }
0x28: {  	[tilespmem:s0+$0x3090] =	vst v1  }
0x29: {  	s31 =	sand.u32 $0x3, s5;
	[tilespmem:s0+$0x3080] =	vst v1  }
0x2a: {  	s1 =	sshll.u32 s31, $0x5;
	[tilespmem:s0+$0x3010] =	vst v1  }
0x2b: {  	s1 =	sadd.s32 $0x0, s1;
	[tilespmem:s0+$0x3000] =	vst v1  }
0x2c: {  	s7 =	sor.u32 $0x300, s1;
	s16 =	sadd.s32 $0x10, s1;
	[tilespmem:s0+$0x3110] =	vst v1  }
0x2d: {  	s31 =	sor.u32 $0x300, s16;
	[tilespmem:s7+$0x3000] =	vst v1  }
0x2e: {  	s17 =	sor.u32 $0x380, s1;
	[tilespmem:s31+$0x3000] =	vst v1  }
0x2f: {  	s16 =	sor.u32 $0x380, s16;
	[tilespmem:s17+$0x3000] =	vst v1  }
0x30: {  	[tilespmem:s16+$0x3000] =	vst v1  }
0x31: {  	[tilespmem:s0+$0x7290] =	vst v1  }
0x32: {  	[tilespmem:s0+$0x7280] =	vst v1  }
0x33: {  	[tilespmem:s0+$0x7200] =	vst v1  }
0x34: {  	[tilespmem:s0+$0x7210] =	vst v1  }
0x35: {  	[tilespmem:s0+$0x7110] =	vst v1  }
0x36: {  	[tilespmem:s0+$0x7180] =	vst v1  }
0x37: {  	[tilespmem:s0+$0x7190] =	vst v1  }
0x38: {  	[tilespmem:s0+$0x7080] =	vst v1  }
0x39: {  	[tilespmem:s0+$0x7090] =	vst v1  }
0x3a: {  	[tilespmem:s0+$0x7100] =	vst v1  }
0x3b: {  	[tilespmem:s0+$0x7010] =	vst v1  }
0x3c: {  	[tilespmem:s0+$0x7000] =	vst v1  }
0x3d: {  	[tilespmem:s7+$0x7000] =	vst v1  }
0x3e: {  	s30 =	simm.s32 $0x20;
	s1 =	simm.s32 $0x1;
	s0 =	simm.s32 $0x100;
	[tilespmem:s31+$0x7000] =	vst v1  }
.LBB2_2:
0x3f: {  	s7 =	sand.u32 $0x3, s1  }
0x40: {  	s31 =	sand.u32 $0x60, s30;
	s8 =	sand.u32 $0x3C00, s0;
	[tilespmem:s17+$0x7000] =	vst v1;
	s17 =	smov.u32 s30  }
0x41: {  	s17 =	sshll.u32 s7, $0x5;
	s31 =	sor.u32 s31, s8;
	s7 =	sadd.s32 $0x20, s30;
	[tilespmem:s16+$0x7000] =	vst v1  }
0x42: {  	p0 =	sne.s32 s30, $0x7E0;
	[tilespmem:s31+$0x3290] =	vst v1  }
0x43: {  	[tilespmem:s31+$0x3210] =	vst v1  }
0x44: {  	[tilespmem:s31+$0x3280] =	vst v1  }
0x45: {  	[tilespmem:s31+$0x3200] =	vst v1  }
0x46: {  	[tilespmem:s31+$0x3190] =	vst v1  }
0x47: {  	[tilespmem:s31+$0x3180] =	vst v1  }
0x48: {  	s8 =	sadd.s32 s17, s0;
	[tilespmem:s31+$0x3100] =	vst v1  }
0x49: {  	s30 =	sor.u32 $0x300, s8;
	[tilespmem:s31+$0x3090] =	vst v1  }
0x4a: {  	s16 =	sadd.s32 $0x10, s8;
	[tilespmem:s31+$0x3080] =	vst v1  }
0x4b: {  	s9 =	sor.u32 $0x300, s16;
	[tilespmem:s31+$0x3010] =	vst v1  }
0x4c: {  	s17 =	sor.u32 $0x380, s8;
	[tilespmem:s31+$0x3000] =	vst v1  }
0x4d: {  	s16 =	sor.u32 $0x380, s16;
	[tilespmem:s31+$0x3110] =	vst v1  }
0x4e: {  	[tilespmem:s30+$0x3000] =	vst v1  }
0x4f: {  	[tilespmem:s9+$0x3000] =	vst v1  }
0x50: {  	[tilespmem:s17+$0x3000] =	vst v1  }
0x51: {  	[tilespmem:s16+$0x3000] =	vst v1  }
0x52: {  	[tilespmem:s31+$0x7290] =	vst v1  }
0x53: {  	[tilespmem:s31+$0x7280] =	vst v1  }
0x54: {  	[tilespmem:s31+$0x7200] =	vst v1  }
0x55: {  	[tilespmem:s31+$0x7210] =	vst v1  }
0x56: {  	[tilespmem:s31+$0x7110] =	vst v1  }
0x57: {  	[tilespmem:s31+$0x7180] =	vst v1  }
0x58: {  	[tilespmem:s31+$0x7190] =	vst v1  }
0x59: {  	[tilespmem:s31+$0x7080] =	vst v1  }
0x5a: {  	[tilespmem:s31+$0x7090] =	vst v1  }
.Ltmp2:
0x5b: {  	[tilespmem:s31+$0x7100] =	vst v1;
	(pc) =	sbr.rel @p0 .LBB2_2-.Ltmp2, $4  }
0x5c: {  	[tilespmem:s31+$0x7010] =	vst v1  }
0x5d: {  	[tilespmem:s31+$0x7000] =	vst v1  }
0x5e: {  	[tilespmem:s30+$0x7000] =	vst v1  }
0x5f: {  	s1 =	sadd.s32 $0x1, s1;
	s0 =	sadd.s32 $0x100, s0;
	s30 =	smov.u32 s7;
	[tilespmem:s9+$0x7000] =	vst v1  }
0x60: {  	[tilespmem:s17+$0x7000] =	vst v1  }
0x61: {  	[tilespmem:s16+$0x7000] =	vst v1  }
0x62: {  	[tilespmem:$0xB080] =	vst v1  }
0x63: {  	s30 =	simm.s32 $0x0;
	[tilespmem:$0xB100] =	vst v1  }
.LBB2_4:
0x64: {  	p0 =	seq.s32 s30, $0x0  }
0x65: {  	s0 =	simm.s32 @!p0 $0x3  }
0x66: {  	_ =	swait.ge @!p0 [sflag:s0], $0x4000  }
0x67: {  	[sflag:s0] =	ssyncset.done @!p0 $0x0  }
0x68: {  	[sflag:s0] =	ssyncadd.s32 @!p0 $0xFFFFC000  }
0x69: {  	[tilespmem:$0xB000] =	vst v1  }
0x6a: {  	_ =	swait.ge [sflag:s21], $0x800  }
0x6b: {  	[sflag:s21] =	ssyncset.done $0x0  }
0x6c: {  	[sflag:s21] =	ssyncadd.s32 $0xFFFFF800  }
0x6d: {  	_ =	swait.ge [sflag:s21], $0x800  }
0x6e: {  	[sflag:s21] =	ssyncset.done $0x0  }
0x6f: {  	[sflag:s21] =	ssyncadd.s32 $0xFFFFF800  }
0x70: {  	s17 =	sshll.u32 s30, $0x1;
	s1 =	simm.s32 $0x7CF;
	_ =	swait.ge [sflag:s21], $0x800  }
0x71: {  	s16 =	simm.s32 $0xFF0;
	s31 =	sor.u32 s4, s17;
	[sflag:s21] =	ssyncset.done $0x0  }
0x72: {  	s17 =	simm.s32 $0x17F0;
	s0 =	simm.s32 $0x7F0;
	[sflag:s21] =	ssyncadd.s32 $0xFFFFF800  }
.LBB2_5:
0x73: {  	v6 =	vld [tilespmem:s0+$0x0]  }
0x74: {  	v7 =	vld [tilespmem:s16+$0x0]  }
0x75: {  	v8 =	vld [tilespmem:s17+$0x0];
	_ =	sdelay $0x3  }
0x76: {  	vm0 =	vgt.f32 v6, $0.0e+00;
	vm1 =	vgt.f32 v7, $0.0e+00  }
0x77: {  	vm14 =	vgt.f32 v8, $0.0e+00;
	v6 =	vsel vm0, $0x4, v1;
	v7 =	vsel vm1, $0x2, v1  }
0x78: {  	v6 =	vor.u32 v6, v7;
	v7 =	vsel vm14, $0x1, v1  }
0x79: {  	v6 =	vor.u32 v7, v6  }
0x7a: {  	v6 =	vperm.xlane v6, v3;
	_ =	sdelay $0x1  }
0x7b: {  	(xrf1) =	vunique.msk.u32 $0xffff, v6;
	_ =	sdelay $0x9  }
0x7c: {  	v7 =	vld.idx.msk [tilespmem:v6+s22+$0x0], $0xffff;
	_ =	sdelay $0x3  }
0x7d: {  	_, v8, vm15 =	vpop (xrf1)  }
0x7e: {  	v7 =	vadd.s32 v7, v8  }
0x7f: {  	v8 =	vadd.s32 $0xFFFFFFFF, v7  }
0x80: {  	v9 =	vshll.u32 v6, $0xB;
	v10 =	vshll.u32 v8, $0x3  }
0x81: {  	v11 =	vshll.u32 v6, $0x7;
	v9 =	vand.u32 $0xFFFFC000, v9;
	v10 =	vand.u32 $0xFFFFFC00, v10  }
0x82: {  	v47 =	vand.u32 $0x380, v11;
	v9 =	vadd.s32 v9, v10  }
0x83: {  	v8 =	vand.u32 $0x7F, v8;
	v9 =	vor.u32 v47, v9  }
0x84: {  	v8 =	vor.u32 v8, v9;
	_ =	sdelay $0x2  }
0x85: {  	s7 =	sadd.s32 $0x30, s1  }
0x86: {  	v48 =	vadd.s32 s7, v0  }
0x87: {  	[tilespmem:v8+s23+$0x0] =	vst.idx.msk $0xffff, v48  }
0x88: {  	[tilespmem:v6+s22+$0x0] =	vst.idx.msk vm15, v7  }
0x89: {  	v6 =	vld [tilespmem:s0+$0xFFFFFFF0]  }
0x8a: {  	v7 =	vld [tilespmem:s16+$0xFFFFFFF0]  }
0x8b: {  	v8 =	vld [tilespmem:s17+$0xFFFFFFF0];
	_ =	sdelay $0x3  }
0x8c: {  	vm4 =	vgt.f32 v6, $0.0e+00;
	vm5 =	vgt.f32 v7, $0.0e+00  }
0x8d: {  	vm6 =	vgt.f32 v8, $0.0e+00;
	v6 =	vsel vm4, $0x4, v1;
	v7 =	vsel vm5, $0x2, v1  }
0x8e: {  	v6 =	vor.u32 v6, v7;
	v7 =	vsel vm6, $0x1, v1  }
0x8f: {  	v6 =	vor.u32 v7, v6  }
0x90: {  	v6 =	vperm.xlane v6, v3;
	_ =	sdelay $0x1  }
0x91: {  	(xrf1) =	vunique.msk.u32 $0xffff, v6;
	_ =	sdelay $0x9  }
0x92: {  	v7 =	vld.idx.msk [tilespmem:v6+s22+$0x0], $0xffff;
	_ =	sdelay $0x3  }
0x93: {  	_, v8, vm7 =	vpop (xrf1)  }
0x94: {  	v7 =	vadd.s32 v7, v8  }
0x95: {  	v8 =	vadd.s32 $0xFFFFFFFF, v7  }
0x96: {  	v49 =	vshll.u32 v6, $0xB;
	v50 =	vshll.u32 v8, $0x3  }
0x97: {  	v51 =	vshll.u32 v6, $0x7;
	v9 =	vand.u32 $0xFFFFC000, v49;
	v10 =	vand.u32 $0xFFFFFC00, v50  }
0x98: {  	v52 =	vand.u32 $0x380, v51;
	v9 =	vadd.s32 v9, v10  }
0x99: {  	v8 =	vand.u32 $0x7F, v8;
	v9 =	vor.u32 v52, v9  }
0x9a: {  	v8 =	vor.u32 v8, v9;
	_ =	sdelay $0x2  }
0x9b: {  	s8 =	sadd.s32 $0x20, s1  }
0x9c: {  	v53 =	vadd.s32 s8, v0  }
0x9d: {  	[tilespmem:v8+s23+$0x0] =	vst.idx.msk $0xffff, v53  }
0x9e: {  	[tilespmem:v6+s22+$0x0] =	vst.idx.msk vm7, v7  }
0x9f: {  	v6 =	vld [tilespmem:s0+$0xFFFFFFE0]  }
0xa0: {  	v7 =	vld [tilespmem:s16+$0xFFFFFFE0]  }
0xa1: {  	v8 =	vld [tilespmem:s17+$0xFFFFFFE0];
	_ =	sdelay $0x3  }
0xa2: {  	vm8 =	vgt.f32 v6, $0.0e+00;
	vm9 =	vgt.f32 v7, $0.0e+00  }
0xa3: {  	vm10 =	vgt.f32 v8, $0.0e+00;
	v6 =	vsel vm8, $0x4, v1;
	v7 =	vsel vm9, $0x2, v1  }
0xa4: {  	v6 =	vor.u32 v6, v7;
	v7 =	vsel vm10, $0x1, v1  }
0xa5: {  	v6 =	vor.u32 v7, v6  }
0xa6: {  	v6 =	vperm.xlane v6, v3;
	_ =	sdelay $0x1  }
0xa7: {  	(xrf1) =	vunique.msk.u32 $0xffff, v6;
	_ =	sdelay $0x9  }
0xa8: {  	v7 =	vld.idx.msk [tilespmem:v6+s22+$0x0], $0xffff;
	_ =	sdelay $0x3  }
0xa9: {  	_, v8, vm11 =	vpop (xrf1)  }
0xaa: {  	v7 =	vadd.s32 v7, v8  }
0xab: {  	v8 =	vadd.s32 $0xFFFFFFFF, v7  }
0xac: {  	v54 =	vshll.u32 v6, $0xB;
	v55 =	vshll.u32 v8, $0x3  }
0xad: {  	v56 =	vshll.u32 v6, $0x7;
	v9 =	vand.u32 $0xFFFFC000, v54;
	v10 =	vand.u32 $0xFFFFFC00, v55  }
0xae: {  	v57 =	vand.u32 $0x380, v56;
	v9 =	vadd.s32 v9, v10  }
0xaf: {  	v8 =	vand.u32 $0x7F, v8;
	v9 =	vor.u32 v57, v9  }
0xb0: {  	v8 =	vor.u32 v8, v9;
	_ =	sdelay $0x2  }
0xb1: {  	s9 =	sadd.s32 $0x10, s1  }
0xb2: {  	v58 =	vadd.s32 s9, v0  }
0xb3: {  	[tilespmem:v8+s23+$0x0] =	vst.idx.msk $0xffff, v58  }
0xb4: {  	[tilespmem:v6+s22+$0x0] =	vst.idx.msk vm11, v7  }
0xb5: {  	v6 =	vld [tilespmem:s0+$0xFFFFFFD0]  }
0xb6: {  	v7 =	vld [tilespmem:s16+$0xFFFFFFD0]  }
0xb7: {  	v8 =	vld [tilespmem:s17+$0xFFFFFFD0];
	_ =	sdelay $0x3  }
0xb8: {  	vm12 =	vgt.f32 v6, $0.0e+00;
	vm13 =	vgt.f32 v7, $0.0e+00  }
0xb9: {  	vm14 =	vgt.f32 v8, $0.0e+00;
	v6 =	vsel vm12, $0x4, v1;
	v7 =	vsel vm13, $0x2, v1  }
0xba: {  	v6 =	vor.u32 v6, v7;
	v7 =	vsel vm14, $0x1, v1  }
0xbb: {  	v6 =	vor.u32 v7, v6  }
0xbc: {  	v6 =	vperm.xlane v6, v3;
	_ =	sdelay $0x1  }
0xbd: {  	(xrf1) =	vunique.msk.u32 $0xffff, v6;
	_ =	sdelay $0x9  }
0xbe: {  	v7 =	vld.idx.msk [tilespmem:v6+s22+$0x0], $0xffff;
	_ =	sdelay $0x3  }
0xbf: {  	_, v8, vm15 =	vpop (xrf1)  }
0xc0: {  	v7 =	vadd.s32 v7, v8  }
0xc1: {  	v8 =	vadd.s32 $0xFFFFFFFF, v7  }
0xc2: {  	v59 =	vshll.u32 v6, $0xB;
	v60 =	vshll.u32 v8, $0x3  }
0xc3: {  	v61 =	vshll.u32 v6, $0x7;
	v9 =	vand.u32 $0xFFFFC000, v59;
	v10 =	vand.u32 $0xFFFFFC00, v60  }
0xc4: {  	v62 =	vand.u32 $0x380, v61;
	v9 =	vadd.s32 v9, v10  }
0xc5: {  	v8 =	vand.u32 $0x7F, v8;
	v9 =	vor.u32 v62, v9  }
0xc6: {  	v8 =	vor.u32 v8, v9  }
0xc7: {  	p0 =	sne.s32 s1, $0xF  }
.Ltmp3:
0xc8: {  	_ = 	snop;
	(pc) =	sbr.rel @p0 .LBB2_5-.Ltmp3, $4  }
0xc9: {  	_ = 	snop  }
0xca: {  	v63 =	vadd.s32 s1, v0  }
0xcb: {  	s1 =	sadd.s32 $0xFFFFFFC0, s1;
	[tilespmem:v8+s23+$0x0] =	vst.idx.msk $0xffff, v63  }
0xcc: {  	s0 =	sadd.s32 $0xFFFFFFC0, s0;
	s16 =	sadd.s32 $0xFFFFFFC0, s16;
	s17 =	sadd.s32 $0xFFFFFFC0, s17;
	[tilespmem:v6+s22+$0x0] =	vst.idx.msk vm15, v7  }
0xcd: {  	v6 =	vld [tilespmem:$0xB000]  }
0xce: {  	v8 =	vld [tilespmem:$0xB080];
	_ =	sdelay $0x4  }
0xcf: {  	v7 =	vsub.s32 v8, v6  }
0xd0: {  	vm0 =	vgt.s32 v7, $0x0  }
0xd1: {  	v7 =	vnsel vm0, $0x0, v7  }
0xd2: {  	v7 =	vor.u32 $0x80000000, v7  }
0xd3: {  	(xrf0) =	vmax.scan.msk.u32 $0xffff, v7;
	_ =	sdelay $0x5  }
0xd4: {  	v7, _, _ =	vpop (xrf0)  }
0xd5: {  	(v2sf) =	vpush v7, $0xF;
	_ =	sdelay $0xe  }
0xd6: {  	s0 =	spop (v2sf)  }
0xd7: {  	s0 =	sadd.s32 $0x80000001, s0  }
0xd8: {  	s0 =	sshra.s32 s0, $0x1  }
0xd9: {  	p0 =	slt.s32 s0, $0x1  }
.Ltmp4:
0xda: {  	_ = 	snop;
	(pc) =	sbr.rel @p0 .LBB2_10-.Ltmp4, $1  }
0xdb: {  	_ =	sdelay $0x3  }
0xdc: {  	v7 =	vperm.xlane v6, v2;
	_ =	sdelay $0x1  }
0xdd: {  	s1 =	simm.s32 $0x0;
	v7 =	vadd.s32 v4, v7  }
0xde: {  	p0 =	sne.s32 s0, $0x1;
	v9 =	vadd.s32 s1, v7  }
.Ltmp5:
0xdf: {  	vm0 =	vlt.s32 v9, $0x7FF;
	(pc) =	sbr.rel @!p0 .LBB2_9-.Ltmp5, $4  }
0xe0: {  	v10 =	vnsel vm0, $0x7FF, v9  }
0xe1: {  	v8 =	vperm.xlane v8, v2;
	v11 =	vshll.u32 v10, $0x3  }
0xe2: {  	v10 =	vand.u32 $0x7F, v10;
	v11 =	vand.u32 $0xFFFFFC00, v11  }
0xe3: {  	s0 =	sadd.s32 $0xFFFFFFFF, s0;
	s1 =	simm.s32 $0x2;
	vm0 =	vlt.s32 v9, v8;
	v9 =	vor.u32 v11, v10  }
.LBB2_8:
0xe4: {  	v10 =	vadd.s32 s1, v7;
	p0 =	sne.s32 s0, $0x1;
	s0 =	sadd.s32 $0xFFFFFFFF, s0;
	v11 =	vor.u32 v5, v9  }
.Ltmp6:
0xe5: {  	vm1 =	vlt.s32 v10, $0x7FF;
	(pc) =	sbr.rel @p0 .LBB2_8-.Ltmp6, $4  }
0xe6: {  	v9 =	vnsel vm1, $0x7FF, v10  }
0xe7: {  	v12 =	vshll.u32 v9, $0x3  }
0xe8: {  	v9 =	vand.u32 $0x7F, v9;
	v12 =	vand.u32 $0xFFFFFC00, v12  }
0xe9: {  	s1 =	sadd.s32 $0x2, s1;
	v9 =	vor.u32 v12, v9;
	[tilespmem:v11+s23+$0x0] =	vst.idx.msk vm0, v1;
	vm0 =	vlt.s32 v10, v8  }
.LBB2_9:
0xea: {  	v7 =	vor.u32 v5, v9;
	_ =	sdelay $0x4  }
0xeb: {  	[tilespmem:v7+s23+$0x0] =	vst.idx.msk vm0, v1  }
.LBB2_10:
0xec: {  	s0 =	sshll.u32 s31, $0xB  }
0xed: {  	[tilespmem:$0xB080] =	vst v6;
	p0 =	seq.s32 s30, $0xF;
	s0 =	sadd.s32 s3, s0  }
0xee: {  	[hbm4b:s0+s5] =	stream.linear.scatter [tilespmem:s23], [sflag:$0x3], $0x4000, $0x38;
	[tilespmem:$0xB180] =	vst v63  }
0xef: {  	s0 =	sadd.s32 @!p0 $0x2, s31  }
0xf0: {  	s1 =	sshll.u32 @!p0 s0, $0xB;
	s0 =	sshll.u32 @!p0 s0, $0x7  }
0xf1: {  	s1 =	sand.u32 @!p0 $0x7FFFC000, s1;
	s0 =	sand.u32 @!p0 $0x300, s0  }
0xf2: {  	s0 =	sor.u32 @!p0 s0, s1  }
0xf3: {  	s7 =	simm.s32 @!p0 $0x80;
	s8 =	simm.s32 @!p0 $0x400;
	s1 =	sshrl.u32 @!p0 s0, $0x3  }
0xf4: {  	s9 =	simm.s32 @!p0 $0x0;
	p1 =	seq.s32 @!p0 s30, $0x0;
	s1 =	sadd.s32 @!p0 s2, s1  }
0xf5: {  	[tilespmem:s9], [sflag:$0x1] =	stream.strided.gather @!p0 [hbm4b:s1+s7], $0x800, s8, s7, $0x38;
	[tilespmem:$0xB180] =	vst v63  }
0xf6: {  	p1 =	por p0, !p1;
	s1 =	sadd.s32 @!p0 $0x200000, s0  }
.Ltmp7:
0xf7: {  	s0 =	sadd.s32 @!p0 $0x400000, s0;
	s1 =	sshrl.u32 @!p0 s1, $0x3;
	(pc) =	sbr.rel @!p1 .LBB2_12-.Ltmp7, $4  }
0xf8: {  	s9 =	simm.s32 @!p0 $0x800;
	s0 =	sshrl.u32 @!p0 s0, $0x3;
	s1 =	sadd.s32 @!p0 s2, s1  }
0xf9: {  	[tilespmem:s9], [sflag:$0x1] =	stream.strided.gather @!p0 [hbm4b:s1+s7], $0x800, s8, s7, $0x38;
	[tilespmem:$0xB180] =	vst v63  }
0xfa: {  	s31 =	sor.u32 @!p0 $0x1, s31;
	s0 =	sadd.s32 @!p0 s2, s0;
	s1 =	simm.s32 @!p0 $0x1000  }
0xfb: {  	[tilespmem:s1], [sflag:$0x1] =	stream.strided.gather @!p0 [hbm4b:s0+s7], $0x800, s8, s7, $0x38;
	[tilespmem:$0xB180] =	vst v63  }
0xfc: {  	_ =	swait.ge [sflag:s28], $0x4000  }
0xfd: {  	[sflag:s28] =	ssyncset.done $0x0  }
0xfe: {  	s31 =	smov.u32 @p0 s12;
	[sflag:s28] =	ssyncadd.s32 $0xFFFFC000  }
.LBB2_12:
0xff: {  	[tilespmem:$0xB000] =	vst v1  }
0x100: {  	_ =	swait.ge [sflag:s24], $0x800  }
0x101: {  	[sflag:s24] =	ssyncset.done $0x0  }
0x102: {  	[sflag:s24] =	ssyncadd.s32 $0xFFFFF800  }
0x103: {  	_ =	swait.ge [sflag:s24], $0x800  }
0x104: {  	[sflag:s24] =	ssyncset.done $0x0  }
0x105: {  	[sflag:s24] =	ssyncadd.s32 $0xFFFFF800  }
0x106: {  	_ =	swait.ge [sflag:s24], $0x800  }
0x107: {  	s1 =	simm.s32 $0x7CF;
	s0 =	simm.s32 $0x1FF0;
	[sflag:s24] =	ssyncset.done $0x0  }
0x108: {  	s16 =	simm.s32 $0x27F0;
	s17 =	simm.s32 $0x2FF0;
	[sflag:s24] =	ssyncadd.s32 $0xFFFFF800  }
.LBB2_13:
0x109: {  	v6 =	vld [tilespmem:s0+$0x0]  }
0x10a: {  	v7 =	vld [tilespmem:s16+$0x0]  }
0x10b: {  	v8 =	vld [tilespmem:s17+$0x0];
	_ =	sdelay $0x3  }
0x10c: {  	vm0 =	vgt.f32 v6, $0.0e+00;
	vm1 =	vgt.f32 v7, $0.0e+00  }
0x10d: {  	vm14 =	vgt.f32 v8, $0.0e+00;
	v6 =	vsel vm0, $0x4, v1;
	v7 =	vsel vm1, $0x2, v1  }
0x10e: {  	v6 =	vor.u32 v6, v7;
	v7 =	vsel vm14, $0x1, v1  }
0x10f: {  	v6 =	vor.u32 v7, v6  }
0x110: {  	v6 =	vperm.xlane v6, v3;
	_ =	sdelay $0x1  }
0x111: {  	(xrf1) =	vunique.msk.u32 $0xffff, v6;
	_ =	sdelay $0x9  }
0x112: {  	v7 =	vld.idx.msk [tilespmem:v6+s22+$0x0], $0xffff;
	_ =	sdelay $0x3  }
0x113: {  	_, v8, vm15 =	vpop (xrf1)  }
0x114: {  	v7 =	vadd.s32 v7, v8  }
0x115: {  	v8 =	vadd.s32 $0xFFFFFFFF, v7  }
0x116: {  	v9 =	vshll.u32 v6, $0xB;
	v10 =	vshll.u32 v8, $0x3  }
0x117: {  	v11 =	vshll.u32 v6, $0x7;
	v9 =	vand.u32 $0xFFFFC000, v9;
	v10 =	vand.u32 $0xFFFFFC00, v10  }
0x118: {  	v47 =	vand.u32 $0x380, v11;
	v9 =	vadd.s32 v9, v10  }
0x119: {  	v8 =	vand.u32 $0x7F, v8;
	v9 =	vor.u32 v47, v9  }
0x11a: {  	v8 =	vor.u32 v8, v9;
	_ =	sdelay $0x2  }
0x11b: {  	s7 =	sadd.s32 $0x30, s1  }
0x11c: {  	v48 =	vadd.s32 s7, v0  }
0x11d: {  	[tilespmem:v8+s25+$0x0] =	vst.idx.msk $0xffff, v48  }
0x11e: {  	[tilespmem:v6+s22+$0x0] =	vst.idx.msk vm15, v7  }
0x11f: {  	v6 =	vld [tilespmem:s0+$0xFFFFFFF0]  }
0x120: {  	v7 =	vld [tilespmem:s16+$0xFFFFFFF0]  }
0x121: {  	v8 =	vld [tilespmem:s17+$0xFFFFFFF0];
	_ =	sdelay $0x3  }
0x122: {  	vm4 =	vgt.f32 v6, $0.0e+00;
	vm5 =	vgt.f32 v7, $0.0e+00  }
0x123: {  	vm6 =	vgt.f32 v8, $0.0e+00;
	v6 =	vsel vm4, $0x4, v1;
	v7 =	vsel vm5, $0x2, v1  }
0x124: {  	v6 =	vor.u32 v6, v7;
	v7 =	vsel vm6, $0x1, v1  }
0x125: {  	v6 =	vor.u32 v7, v6  }
0x126: {  	v6 =	vperm.xlane v6, v3;
	_ =	sdelay $0x1  }
0x127: {  	(xrf1) =	vunique.msk.u32 $0xffff, v6;
	_ =	sdelay $0x9  }
0x128: {  	v7 =	vld.idx.msk [tilespmem:v6+s22+$0x0], $0xffff;
	_ =	sdelay $0x3  }
0x129: {  	_, v8, vm7 =	vpop (xrf1)  }
0x12a: {  	v7 =	vadd.s32 v7, v8  }
0x12b: {  	v8 =	vadd.s32 $0xFFFFFFFF, v7  }
0x12c: {  	v49 =	vshll.u32 v6, $0xB;
	v50 =	vshll.u32 v8, $0x3  }
0x12d: {  	v51 =	vshll.u32 v6, $0x7;
	v9 =	vand.u32 $0xFFFFC000, v49;
	v10 =	vand.u32 $0xFFFFFC00, v50  }
0x12e: {  	v52 =	vand.u32 $0x380, v51;
	v9 =	vadd.s32 v9, v10  }
0x12f: {  	v8 =	vand.u32 $0x7F, v8;
	v9 =	vor.u32 v52, v9  }
0x130: {  	v8 =	vor.u32 v8, v9;
	_ =	sdelay $0x2  }
0x131: {  	s8 =	sadd.s32 $0x20, s1  }
0x132: {  	v53 =	vadd.s32 s8, v0  }
0x133: {  	[tilespmem:v8+s25+$0x0] =	vst.idx.msk $0xffff, v53  }
0x134: {  	[tilespmem:v6+s22+$0x0] =	vst.idx.msk vm7, v7  }
0x135: {  	v6 =	vld [tilespmem:s0+$0xFFFFFFE0]  }
0x136: {  	v7 =	vld [tilespmem:s16+$0xFFFFFFE0]  }
0x137: {  	v8 =	vld [tilespmem:s17+$0xFFFFFFE0];
	_ =	sdelay $0x3  }
0x138: {  	vm8 =	vgt.f32 v6, $0.0e+00;
	vm9 =	vgt.f32 v7, $0.0e+00  }
0x139: {  	vm10 =	vgt.f32 v8, $0.0e+00;
	v6 =	vsel vm8, $0x4, v1;
	v7 =	vsel vm9, $0x2, v1  }
0x13a: {  	v6 =	vor.u32 v6, v7;
	v7 =	vsel vm10, $0x1, v1  }
0x13b: {  	v6 =	vor.u32 v7, v6  }
0x13c: {  	v6 =	vperm.xlane v6, v3;
	_ =	sdelay $0x1  }
0x13d: {  	(xrf1) =	vunique.msk.u32 $0xffff, v6;
	_ =	sdelay $0x9  }
0x13e: {  	v7 =	vld.idx.msk [tilespmem:v6+s22+$0x0], $0xffff;
	_ =	sdelay $0x3  }
0x13f: {  	_, v8, vm11 =	vpop (xrf1)  }
0x140: {  	v7 =	vadd.s32 v7, v8  }
0x141: {  	v8 =	vadd.s32 $0xFFFFFFFF, v7  }
0x142: {  	v54 =	vshll.u32 v6, $0xB;
	v55 =	vshll.u32 v8, $0x3  }
0x143: {  	v56 =	vshll.u32 v6, $0x7;
	v9 =	vand.u32 $0xFFFFC000, v54;
	v10 =	vand.u32 $0xFFFFFC00, v55  }
0x144: {  	v57 =	vand.u32 $0x380, v56;
	v9 =	vadd.s32 v9, v10  }
0x145: {  	v8 =	vand.u32 $0x7F, v8;
	v9 =	vor.u32 v57, v9  }
0x146: {  	v8 =	vor.u32 v8, v9;
	_ =	sdelay $0x2  }
0x147: {  	s9 =	sadd.s32 $0x10, s1  }
0x148: {  	v58 =	vadd.s32 s9, v0  }
0x149: {  	[tilespmem:v8+s25+$0x0] =	vst.idx.msk $0xffff, v58  }
0x14a: {  	[tilespmem:v6+s22+$0x0] =	vst.idx.msk vm11, v7  }
0x14b: {  	v6 =	vld [tilespmem:s0+$0xFFFFFFD0]  }
0x14c: {  	v7 =	vld [tilespmem:s16+$0xFFFFFFD0]  }
0x14d: {  	v8 =	vld [tilespmem:s17+$0xFFFFFFD0];
	_ =	sdelay $0x3  }
0x14e: {  	vm12 =	vgt.f32 v6, $0.0e+00;
	vm13 =	vgt.f32 v7, $0.0e+00  }
0x14f: {  	vm14 =	vgt.f32 v8, $0.0e+00;
	v6 =	vsel vm12, $0x4, v1;
	v7 =	vsel vm13, $0x2, v1  }
0x150: {  	v6 =	vor.u32 v6, v7;
	v7 =	vsel vm14, $0x1, v1  }
0x151: {  	v6 =	vor.u32 v7, v6  }
0x152: {  	v6 =	vperm.xlane v6, v3;
	_ =	sdelay $0x1  }
0x153: {  	(xrf1) =	vunique.msk.u32 $0xffff, v6;
	_ =	sdelay $0x9  }
0x154: {  	v7 =	vld.idx.msk [tilespmem:v6+s22+$0x0], $0xffff;
	_ =	sdelay $0x3  }
0x155: {  	_, v8, vm15 =	vpop (xrf1)  }
0x156: {  	v7 =	vadd.s32 v7, v8  }
0x157: {  	v8 =	vadd.s32 $0xFFFFFFFF, v7  }
0x158: {  	v59 =	vshll.u32 v6, $0xB;
	v60 =	vshll.u32 v8, $0x3  }
0x159: {  	v61 =	vshll.u32 v6, $0x7;
	v9 =	vand.u32 $0xFFFFC000, v59;
	v10 =	vand.u32 $0xFFFFFC00, v60  }
0x15a: {  	v62 =	vand.u32 $0x380, v61;
	v9 =	vadd.s32 v9, v10  }
0x15b: {  	v8 =	vand.u32 $0x7F, v8;
	v9 =	vor.u32 v62, v9  }
0x15c: {  	v8 =	vor.u32 v8, v9  }
0x15d: {  	p1 =	sne.s32 s1, $0xF  }
.Ltmp8:
0x15e: {  	_ = 	snop;
	(pc) =	sbr.rel @p1 .LBB2_13-.Ltmp8, $4  }
0x15f: {  	_ = 	snop  }
0x160: {  	v63 =	vadd.s32 s1, v0  }
0x161: {  	s1 =	sadd.s32 $0xFFFFFFC0, s1;
	[tilespmem:v8+s25+$0x0] =	vst.idx.msk $0xffff, v63  }
0x162: {  	s0 =	sadd.s32 $0xFFFFFFC0, s0;
	s16 =	sadd.s32 $0xFFFFFFC0, s16;
	s17 =	sadd.s32 $0xFFFFFFC0, s17;
	[tilespmem:v6+s22+$0x0] =	vst.idx.msk vm15, v7  }
0x163: {  	v6 =	vld [tilespmem:$0xB000]  }
0x164: {  	v8 =	vld [tilespmem:$0xB100];
	_ =	sdelay $0x4  }
0x165: {  	v7 =	vsub.s32 v8, v6  }
0x166: {  	vm0 =	vgt.s32 v7, $0x0  }
0x167: {  	v7 =	vnsel vm0, $0x0, v7  }
0x168: {  	v7 =	vor.u32 $0x80000000, v7  }
0x169: {  	(xrf0) =	vmax.scan.msk.u32 $0xffff, v7;
	_ =	sdelay $0x5  }
0x16a: {  	v7, _, _ =	vpop (xrf0)  }
0x16b: {  	(v2sf) =	vpush v7, $0xF;
	_ =	sdelay $0xe  }
0x16c: {  	s0 =	spop (v2sf)  }
0x16d: {  	s0 =	sadd.s32 $0x80000001, s0  }
0x16e: {  	s0 =	sshra.s32 s0, $0x1  }
0x16f: {  	p1 =	slt.s32 s0, $0x1  }
.Ltmp9:
0x170: {  	_ = 	snop;
	(pc) =	sbr.rel @p1 .LBB2_18-.Ltmp9, $1  }
0x171: {  	_ =	sdelay $0x3  }
0x172: {  	v7 =	vperm.xlane v6, v2;
	_ =	sdelay $0x1  }
0x173: {  	s1 =	simm.s32 $0x0;
	v7 =	vadd.s32 v4, v7  }
0x174: {  	p1 =	sne.s32 s0, $0x1;
	v9 =	vadd.s32 s1, v7  }
.Ltmp10:
0x175: {  	vm0 =	vlt.s32 v9, $0x7FF;
	(pc) =	sbr.rel @!p1 .LBB2_17-.Ltmp10, $4  }
0x176: {  	v10 =	vnsel vm0, $0x7FF, v9  }
0x177: {  	v8 =	vperm.xlane v8, v2;
	v11 =	vshll.u32 v10, $0x3  }
0x178: {  	v10 =	vand.u32 $0x7F, v10;
	v11 =	vand.u32 $0xFFFFFC00, v11  }
0x179: {  	s0 =	sadd.s32 $0xFFFFFFFF, s0;
	s1 =	simm.s32 $0x2;
	vm0 =	vlt.s32 v9, v8;
	v9 =	vor.u32 v11, v10  }
.LBB2_16:
0x17a: {  	v10 =	vadd.s32 s1, v7;
	p1 =	sne.s32 s0, $0x1;
	s0 =	sadd.s32 $0xFFFFFFFF, s0;
	v11 =	vor.u32 v5, v9  }
.Ltmp11:
0x17b: {  	vm1 =	vlt.s32 v10, $0x7FF;
	(pc) =	sbr.rel @p1 .LBB2_16-.Ltmp11, $4  }
0x17c: {  	v9 =	vnsel vm1, $0x7FF, v10  }
0x17d: {  	v12 =	vshll.u32 v9, $0x3  }
0x17e: {  	v9 =	vand.u32 $0x7F, v9;
	v12 =	vand.u32 $0xFFFFFC00, v12  }
0x17f: {  	s1 =	sadd.s32 $0x2, s1;
	v9 =	vor.u32 v12, v9;
	[tilespmem:v11+s25+$0x0] =	vst.idx.msk vm0, v1;
	vm0 =	vlt.s32 v10, v8  }
.LBB2_17:
0x180: {  	v7 =	vor.u32 v5, v9;
	_ =	sdelay $0x4  }
0x181: {  	[tilespmem:v7+s25+$0x0] =	vst.idx.msk vm0, v1  }
.LBB2_18:
.Ltmp12:
0x182: {  	(pc) =	sbr.rel @p0 .LBB2_20-.Ltmp12, $4  }
0x183: {  	_ = 	snop  }
0x184: {  	s0 =	sshll.u32 s31, $0xB  }
0x185: {  	[tilespmem:$0xB100] =	vst v6;
	s0 =	sadd.s32 s3, s0  }
0x186: {  	[hbm4b:s0+s5] =	stream.linear.scatter [tilespmem:s25], [sflag:$0x4], $0x4000, $0x38;
	[tilespmem:$0xB180] =	vst v63  }
0x187: {  	s0 =	sadd.s32 $0x2, s31  }
0x188: {  	s1 =	sshll.u32 s0, $0xB;
	s0 =	sshll.u32 s0, $0x7  }
0x189: {  	s1 =	sand.u32 $0x7FFFC000, s1;
	s0 =	sand.u32 $0x380, s0  }
0x18a: {  	s0 =	sor.u32 s0, s1  }
0x18b: {  	s1 =	sshrl.u32 s0, $0x3  }
0x18c: {  	s31 =	sadd.s32 $0x200000, s0;
	s1 =	sadd.s32 s2, s1  }
0x18d: {  	[tilespmem:s18], [sflag:$0x2] =	stream.strided.gather [hbm4b:s1+s14], $0x800, s15, s14, $0x38;
	[tilespmem:$0xB180] =	vst v63  }
.Ltmp13:
0x18e: {  	s0 =	sadd.s32 $0x400000, s0;
	s1 =	sshrl.u32 s31, $0x3;
	(pc) =	sbr.rel .LBB2_4-.Ltmp13, $4  }
0x18f: {  	s0 =	sshrl.u32 s0, $0x3;
	s1 =	sadd.s32 s2, s1  }
0x190: {  	[tilespmem:s19], [sflag:$0x2] =	stream.strided.gather [hbm4b:s1+s14], $0x800, s15, s14, $0x38;
	[tilespmem:$0xB180] =	vst v63  }
0x191: {  	s30 =	sadd.s32 $0x1, s30;
	s0 =	sadd.s32 s2, s0  }
0x192: {  	[tilespmem:s20], [sflag:$0x2] =	stream.strided.gather [hbm4b:s0+s14], $0x800, s15, s14, $0x38;
	[tilespmem:$0xB180] =	vst v63  }
.LBB2_21:
0x193: {  	_ =	sfence.sel $0x180000  }
0x194: {  	[bflag:$0x0] =	sbarrier.arrive $0xFFFF  }
0x195: {  	_ =	strace $0x90000047  }
0x196: {  	s0 =	stileid.u32;
	[bflag:$0x2] =	sbarrier.arrive $0xFFFF  }
0x197: {  	p0 =	sne.s32 s0, $0x0;
	s0 =	rddreg [dreg:$0x2]  }
0x198: {  	s0 =	sadd.s32 @!p0 $0x100000, s0  }
0x199: {  	[sflag:s0] =	ssyncadd.tile.s32 @!p0 $0x1;
	_ =	shalt  }
.Lfunc_end2:
_tile_overlayer_lowered:
.L_overlay_start_2:
0x19a: {  	(tag) =	ssettag $0x2  }
0x19b: {  	s0 =	rddreg [dreg:$0x0];
	s2 =	stileid.u32  }
0x19c: {  	s1 =	rddreg [dreg:$0x1];
	p0 =	sne.s32 s2, $0x0  }
0x19d: {  	s3 =	rddreg [dreg:$0x2];
	[bflag:$0x3] =	sbarrier.arrive $0xFFFF;
	s2 =	simm.s32 @!p0 $0x1C05  }
0x19e: {  	[timem:s3], [sflag:s2] =	dma.local @!p0 [hbm:s0], s1  }
0x19f: {  	s0 =	simm.s32 @!p0 $0x5  }
0x1a0: {  	_ =	swait.ge @!p0 [sflag:s0], s1  }
0x1a1: {  	s1 =	ssub.s32 @!p0 $0x0, s1;
	[sflag:s0] =	ssyncset.done @!p0 $0x0  }
0x1a2: {  	[sflag:s0] =	ssyncadd.s32 @!p0 s1  }
0x1a3: {  	[bflag:$0x3] =	sbarrier.arrive $0xFFFF  }
0x1a4: {  	_ =	shalt  }

</sc_bundles>
